<compile_context>
chip_gen: v7x
topology: tpu7x:2x2x1
jax: 0.10.2.dev20260603
libtpu: 0.0.44.dev20260713+nightly
codegen_flags: <defaults>
</compile_context>

<pallas_src>
import functools

import numpy as np

import jax
import jax.numpy as jnp
from jax import lax
from jax.experimental import pallas as pl
from jax.experimental.pallas import tpu as pltpu
from jax.experimental.pallas import tpu_sc as plsc

B, F, V, D = 4096, 22, 1000000, 16
H1, H2 = 400, 400
HP = 512
FD = F * D
DH = D // 2
FDH = F * DH
IDX_CHUNK = 128

VP = 1007616
DET_COLS = VP // 8


def _detile_body(in_ref, *out_refs):
    for dd in range(DH):
        out_refs[dd][...] = in_ref[dd, :]


def _tc_detile(fmvt, half):
    return pl.pallas_call(
        _detile_body,
        grid=(8,),
        in_specs=[pl.BlockSpec((DH, DET_COLS), lambda c, h=half: (h, c))],
        out_specs=[pl.BlockSpec((DET_COLS,), lambda c: (c,))
                   for _ in range(DH)],
        out_shape=[jax.ShapeDtypeStruct((VP,), jnp.float32)
                   for _ in range(DH)],
        compiler_params=pltpu.CompilerParams(
            dimension_semantics=("arbitrary",)),
    )(fmvt)


@functools.cache
def _sc_gather_kernel(with_w):
    info = plsc.get_sparse_core_info()
    nc, ns = info.num_cores, info.num_subcores
    nw = nc * ns
    rows_per_w = (B * F) // nw
    chunks = rows_per_w // IDX_CHUNK
    assert rows_per_w % IDX_CHUNK == 0

    mesh = plsc.VectorSubcoreMesh(core_axis_name="c", subcore_axis_name="s")

    out_type = [jax.ShapeDtypeStruct((B * F * DH,), jnp.float32)]
    scratch = [
        pltpu.VMEM((rows_per_w,), jnp.int32),
        pltpu.VMEM((DH * rows_per_w,), jnp.float32),
        pltpu.VMEM((rows_per_w * DH,), jnp.float32),
        pltpu.SemaphoreType.DMA,
    ]
    if with_w:
        out_type.append(jax.ShapeDtypeStruct((B * F,), jnp.float32))
        scratch += [pltpu.VMEM((rows_per_w,), jnp.float32),
                    pltpu.SemaphoreType.DMA]

    @functools.partial(
        pl.kernel,
        mesh=mesh,
        out_type=tuple(out_type),
        scratch_types=scratch,
        compiler_params=pltpu.CompilerParams(use_tc_tiling_on_sc=False,
                                            needs_layout_passes=False),
    )
    def gather_kernel(ids_hbm, *rest):
        tabs = rest[:DH]
        if with_w:
            (fmw_hbm, emb_out, wg_out,
             idx_v, gbuf, rows_v, sem_v, w_v, sem_w) = rest[DH:]
        else:
            (emb_out, idx_v, gbuf, rows_v, sem_v) = rest[DH:]
        wid = lax.axis_index("s") * nc + lax.axis_index("c")
        base = wid * rows_per_w
        pltpu.sync_copy(ids_hbm.at[pl.ds(base, rows_per_w)], idx_v)

        def issue(c):
            idx_c = idx_v.at[pl.ds(c * IDX_CHUNK, IDX_CHUNK)]
            if with_w:
                pltpu.async_copy(fmw_hbm.at[idx_c],
                                 w_v.at[pl.ds(c * IDX_CHUNK, IDX_CHUNK)],
                                 sem_w)
            for d in range(DH):
                pltpu.async_copy(
                    tabs[d].at[idx_c],
                    gbuf.at[pl.ds(d * rows_per_w + c * IDX_CHUNK, IDX_CHUNK)],
                    sem_v)

        def drain(c):
            if with_w:
                pltpu.make_async_copy(
                    fmw_hbm.at[pl.ds(0, IDX_CHUNK)],
                    w_v.at[pl.ds(c * IDX_CHUNK, IDX_CHUNK)], sem_w).wait()
            for d in range(DH):
                pltpu.make_async_copy(
                    tabs[d].at[pl.ds(0, IDX_CHUNK)],
                    gbuf.at[pl.ds(d * rows_per_w + c * IDX_CHUNK, IDX_CHUNK)],
                    sem_v).wait()

        def chunk_body(c, carry):
            issue(c)

            @pl.when(c > 1)
            def _():
                drain(c - 2)
            return carry

        lax.fori_loop(0, chunks, chunk_body, 0, unroll=False)
        drain(chunks - 2)
        drain(chunks - 1)

        d_iota = lax.iota(jnp.int32, 16)
        dmod = d_iota % DH
        jsel = (d_iota >= DH).astype(jnp.int32)
        ld_base = dmod * rows_per_w

        def tr_body(j, jvec):
            j2 = jvec + jsel
            row = plsc.load_gather(gbuf, [ld_base + j2])
            plsc.store_scatter(rows_v, [j2 * DH + dmod], row)
            return jvec + 2

        lax.fori_loop(0, rows_per_w // 2, tr_body,
                      jnp.zeros((16,), jnp.int32), unroll=4)

        pltpu.sync_copy(rows_v, emb_out.at[pl.ds(base * DH, rows_per_w * DH)])
        if with_w:
            pltpu.sync_copy(w_v, wg_out.at[pl.ds(base, rows_per_w)])

    return gather_kernel


BLK = 512


def _tc_body(lo_ref, hi_ref, vrep_ref, vals_ref, wg_ref, a_ref,
             w1_ref, b1_ref, w2_ref, b2_ref, w3_ref, scal_ref, out_ref):
    emb = jnp.concatenate([lo_ref[...], hi_ref[...]], axis=1) * vrep_ref[...]
    s = jnp.dot(emb, a_ref[...], preferred_element_type=jnp.float32)
    y_wxx = 0.5 * (jnp.sum(s * s, axis=1, keepdims=True)
                   - jnp.sum(emb * emb, axis=1, keepdims=True))
    y_wx = jnp.sum(vals_ref[...] * wg_ref[...], axis=1, keepdims=True)
    h = jnp.dot(emb, w1_ref[...], preferred_element_type=jnp.float32)
    h = jnp.maximum(h + b1_ref[...], 0.0)
    h = jnp.dot(h, w2_ref[...], preferred_element_type=jnp.float32)
    h = jnp.maximum(h + b2_ref[...], 0.0)
    y_d = jnp.sum(h * w3_ref[...], axis=1, keepdims=True)
    y = y_wx + y_wxx + y_d + scal_ref[...]
    out_ref[...] = 1.0 / (1.0 + jnp.exp(-y))


_PERM = np.array([f * D + d for f in range(F) for d in range(DH)]
                 + [f * D + d for f in range(F) for d in range(DH, D)],
                 dtype=np.int32)


def kernel(feat_ids, feat_vals, fm_b, fm_w, fm_v, W1, b1, W2, b2, W3, b3):
    ids_flat = feat_ids.astype(jnp.int32).reshape(B * F)
    fmvt = fm_v.T

    tabs_lo = _tc_detile(fmvt, 0)
    emb_lo, wg_flat = _sc_gather_kernel(True)(ids_flat, *tabs_lo, fm_w)
    tabs_hi = _tc_detile(fmvt, 1)
    (emb_hi,) = _sc_gather_kernel(False)(ids_flat, *tabs_hi)

    lo = emb_lo.reshape(B, FDH)
    hi = emb_hi.reshape(B, FDH)
    wg = wg_flat.reshape(B, F)

    vrep = jnp.tile(jnp.repeat(feat_vals, DH, axis=1), (1, 2))
    a_mat = jnp.tile(jnp.eye(D, dtype=jnp.float32), (F, 1))[_PERM]
    w1p = jnp.pad(W1, ((0, 0), (0, HP - H1)))[_PERM]
    b1p = jnp.pad(b1, (0, HP - H1)).reshape(1, HP)
    w2p = jnp.pad(W2, ((0, HP - H1), (0, HP - H2)))
    b2p = jnp.pad(b2, (0, HP - H2)).reshape(1, HP)
    w3p = jnp.pad(W3[:, 0], (0, HP - H2)).reshape(1, HP)
    scal = (fm_b + b3).reshape(1, 1)

    full = lambda shape: pl.BlockSpec(shape, lambda i: (0, 0))
    preds = pl.pallas_call(
        _tc_body,
        grid=(B // BLK,),
        in_specs=[
            pl.BlockSpec((BLK, FDH), lambda i: (i, 0)),
            pl.BlockSpec((BLK, FDH), lambda i: (i, 0)),
            pl.BlockSpec((BLK, FD), lambda i: (i, 0)),
            pl.BlockSpec((BLK, F), lambda i: (i, 0)),
            pl.BlockSpec((BLK, F), lambda i: (i, 0)),
            full((FD, D)),
            full((FD, HP)),
            full((1, HP)),
            full((HP, HP)),
            full((1, HP)),
            full((1, HP)),
            full((1, 1)),
        ],
        out_specs=pl.BlockSpec((BLK, 1), lambda i: (i, 0)),
        out_shape=jax.ShapeDtypeStruct((B, 1), jnp.float32),
        compiler_params=pltpu.CompilerParams(
            dimension_semantics=("parallel",)),
    )(lo, hi, vrep, feat_vals, wg, a_mat, w1p, b1p, w2p, b2p, w3p, scal)
    return preds.reshape(-1)

# --- scband reference (transcript-rebuilt; emitter-appended) ---
"""Pipeline reference for scband-deep-fm-17377437680088 (READ-ONLY COPY).

The authoritative reference and input builder live on the scoring server;
editing this copy changes nothing except your own understanding.
"""

import jax, jax.numpy as jnp
import numpy as np

B, F, V, D = 4096, 22, 1000000, 16
H1, H2 = 400, 400

def setup_inputs(seed: int = 0) -> dict:
    key = jax.random.key(seed)
    ks = jax.random.split(key, 12)
    feat_ids = jax.random.randint(ks[0], (B, F), 0, V, dtype=jnp.int64 if jax.config.jax_enable_x64 else jnp.int32)
    feat_vals = jax.random.uniform(ks[1], (B, F), dtype=jnp.float32)
    fm_b = jnp.zeros((1,), dtype=jnp.float32)
    fm_w = jax.random.normal(ks[2], (V,), dtype=jnp.float32) * 0.01
    fm_v = jax.random.normal(ks[3], (V, D), dtype=jnp.float32) * 0.05
    W1 = jax.random.normal(ks[4], (F * D, H1), dtype=jnp.float32) * (1.0 / np.sqrt(F * D))
    b1 = jnp.zeros((H1,), dtype=jnp.float32)
    W2 = jax.random.normal(ks[5], (H1, H2), dtype=jnp.float32) * (1.0 / np.sqrt(H1))
    b2 = jnp.zeros((H2,), dtype=jnp.float32)
    W3 = jax.random.normal(ks[6], (H2, 1), dtype=jnp.float32) * (1.0 / np.sqrt(H2))
    b3 = jnp.zeros((1,), dtype=jnp.float32)
    return {"feat_ids": feat_ids, "feat_vals": feat_vals, "fm_b": fm_b, "fm_w": fm_w,
            "fm_v": fm_v, "W1": W1, "b1": b1, "W2": W2, "b2": b2, "W3": W3, "b3": b3}

def reference(feat_ids, feat_vals, fm_b, fm_w, fm_v, W1, b1, W2, b2, W3, b3):
    # fm 1st order: gather scalar weights and weighted sum over fields
    feat_wts = jnp.take(fm_w, feat_ids, axis=0)              # [B, F]
    y_wx = jnp.sum(feat_wts * feat_vals, axis=1)             # [B]
    # fm 2nd order: gather embeddings, scale by vals
    embeddings = jnp.take(fm_v, feat_ids, axis=0)            # [B, F, D]
    embeddings = embeddings * feat_vals[:, :, None]          # [B, F, D]
    sum_square = jnp.square(jnp.sum(embeddings, axis=1))     # [B, D]
    square_sum = jnp.sum(jnp.square(embeddings), axis=1)     # [B, D]
    y_wxx = 0.5 * jnp.sum(sum_square - square_sum, axis=1)   # [B]
    # deep part
    h = embeddings.reshape(-1, F * D)
    h = jax.nn.relu(h @ W1 + b1)
    h = jax.nn.relu(h @ W2 + b2)
    y_d = (h @ W3 + b3).reshape(-1)                          # [B]
    y_bias = fm_b * jnp.ones_like(y_d)
    y = y_bias + y_wx + y_wxx + y_d
    preds = jax.nn.sigmoid(y)
    return preds

if __name__ == "__main__":
    import jax
    _d = setup_inputs()
    print(jax.jit(kernel)(*tuple(_d.values())))

</pallas_src>

<mosaic_0001>
#map = affine_map<(d0, d1) -> (0)>
module attributes {stable_mosaic.version = 14 : i64} {
  func.func @gather_kernel(%arg0: i32, %arg1: i32, %arg2: memref<90112xi32, #tpu.memory_space<hbm>>, %arg3: memref<1007616xf32, #tpu.memory_space<hbm>>, %arg4: memref<1007616xf32, #tpu.memory_space<hbm>>, %arg5: memref<1007616xf32, #tpu.memory_space<hbm>>, %arg6: memref<1007616xf32, #tpu.memory_space<hbm>>, %arg7: memref<1007616xf32, #tpu.memory_space<hbm>>, %arg8: memref<1007616xf32, #tpu.memory_space<hbm>>, %arg9: memref<1007616xf32, #tpu.memory_space<hbm>>, %arg10: memref<1007616xf32, #tpu.memory_space<hbm>>, %arg11: memref<720896xf32, #tpu.memory_space<hbm>>, %arg12: memref<2816xi32, #tpu.memory_space<vmem>>, %arg13: memref<22528xf32, #tpu.memory_space<vmem>>, %arg14: memref<22528xf32, #tpu.memory_space<vmem>>, %arg15: memref<!tpu.dma_semaphore, #tpu.memory_space<semaphore_mem>>) attributes {dimension_semantics = [#tpu.dimension_semantics<core_parallel>, #tpu.dimension_semantics<subcore_parallel>], iteration_bounds = array<i64: 2, 16>, scalar_prefetch = 0 : i64, scratch_operands = 4 : i64, tpu.core_type = #tpu.core_type<sc_vector_subcore>, window_params = [{transform_indices = #map}, {transform_indices = #map}, {transform_indices = #map}, {transform_indices = #map}, {transform_indices = #map}, {transform_indices = #map}, {transform_indices = #map}, {transform_indices = #map}, {transform_indices = #map}, {transform_indices = #map}]} {
    %mul3A = arith.constant 2 : i32
    %mul3A_0 = arith.muli %arg1, %mul3A : i32
    %add3A = arith.addi %mul3A_0, %arg0 : i32
    %mul3A_1 = arith.constant 2816 : i32
    %mul3A_2 = arith.muli %add3A, %mul3A_1 : i32
    "tpu.region"() ({
      %run_scoped3A = tpu.sem_alloc : memref<!tpu.dma_semaphore, #tpu.memory_space<semaphore_mem>>
      %dma_start3A = tpu.memref_slice %arg2[%mul3A_2] : memref<90112xi32, #tpu.memory_space<hbm>> -> memref<2816xi32, #tpu.memory_space<hbm>>
      %dma_start3A_164 = tpu.memref_slice %arg2[%mul3A_2] : memref<90112xi32, #tpu.memory_space<hbm>> -> memref<2816xi32, #tpu.memory_space<hbm>>
      tpu.enqueue_dma source(%dma_start3A_164 : memref<2816xi32, #tpu.memory_space<hbm>>) target(%arg12 : memref<2816xi32, #tpu.memory_space<vmem>>) target_semaphore(%run_scoped3A : memref<!tpu.dma_semaphore, #tpu.memory_space<semaphore_mem>>)
      %dma_wait3A_165 = tpu.memref_slice %arg2[%mul3A_2] : memref<90112xi32, #tpu.memory_space<hbm>> -> memref<2816xi32, #tpu.memory_space<hbm>>
      %dma_wait3A_166 = tpu.memref_slice %arg2[%mul3A_2] : memref<90112xi32, #tpu.memory_space<hbm>> -> memref<2816xi32, #tpu.memory_space<hbm>>
      tpu.wait_dma2 semaphore(%run_scoped3A : memref<!tpu.dma_semaphore, #tpu.memory_space<semaphore_mem>>) src(%dma_wait3A_166 : memref<2816xi32, #tpu.memory_space<hbm>>) dst(%arg12 : memref<2816xi32, #tpu.memory_space<vmem>>)
      tpu.yield
    }) : () -> ()
    %scan3A = arith.constant 0 : i32
    %scan3A_3 = arith.constant 0 : i32
    %scan3A_4 = arith.constant 22 : i32
    %scan3A_5 = arith.addi %scan3A_3, %scan3A_4 : i32
    %scan3A_6 = arith.constant 1 : i32
    scf.for %scan3A_164 = %scan3A_3 to %scan3A_5 step %scan3A_6  : i32 {
      %mul3A_165 = arith.constant 128 : i32
      %mul3A_166 = arith.muli %scan3A_164, %mul3A_165 : i32
      %mul3A_167 = arith.constant 128 : i32
      %mul3A_168 = arith.muli %scan3A_164, %mul3A_167 : i32
      %add3A_169 = arith.constant 0 : i32
      %add3A_170 = arith.addi %add3A_169, %mul3A_168 : i32
      %dma_start3A = tpu.memref_slice %arg13[%add3A_170] : memref<22528xf32, #tpu.memory_space<vmem>> -> memref<128xf32, #tpu.memory_space<vmem>>
      %dma_start3A_171 = tpu.memref_slice %arg12[%mul3A_166] : memref<2816xi32, #tpu.memory_space<vmem>> -> memref<128xi32, #tpu.memory_space<vmem>>
      %dma_start3A_172 = arith.constant 0 : i32
      %dma_start3A_173 = tpu.memref_slice %arg3[%dma_start3A_172] : memref<1007616xf32, #tpu.memory_space<hbm>> -> memref<1007616xf32, #tpu.memory_space<hbm>>
      tpu.enqueue_indirect_dma source(%dma_start3A_173 : memref<1007616xf32, #tpu.memory_space<hbm>>) target(%dma_start3A : memref<128xf32, #tpu.memory_space<vmem>>) offsets(%dma_start3A_171 : memref<128xi32, #tpu.memory_space<vmem>>) semaphore(%arg15 : memref<!tpu.dma_semaphore, #tpu.memory_space<semaphore_mem>>)
      %mul3A_174 = arith.constant 128 : i32
      %mul3A_175 = arith.muli %scan3A_164, %mul3A_174 : i32
      %add3A_176 = arith.constant 2816 : i32
      %add3A_177 = arith.addi %add3A_176, %mul3A_175 : i32
      %dma_start3A_178 = tpu.memref_slice %arg13[%add3A_177] : memref<22528xf32, #tpu.memory_space<vmem>> -> memref<128xf32, #tpu.memory_space<vmem>>
      %dma_start3A_179 = tpu.memref_slice %arg12[%mul3A_166] : memref<2816xi32, #tpu.memory_space<vmem>> -> memref<128xi32, #tpu.memory_space<vmem>>
      %dma_start3A_180 = arith.constant 0 : i32
      %dma_start3A_181 = tpu.memref_slice %arg4[%dma_start3A_180] : memref<1007616xf32, #tpu.memory_space<hbm>> -> memref<1007616xf32, #tpu.memory_space<hbm>>
      tpu.enqueue_indirect_dma source(%dma_start3A_181 : memref<1007616xf32, #tpu.memory_space<hbm>>) target(%dma_start3A_178 : memref<128xf32, #tpu.memory_space<vmem>>) offsets(%dma_start3A_179 : memref<128xi32, #tpu.memory_space<vmem>>) semaphore(%arg15 : memref<!tpu.dma_semaphore, #tpu.memory_space<semaphore_mem>>)
      %mul3A_182 = arith.constant 128 : i32
      %mul3A_183 = arith.muli %scan3A_164, %mul3A_182 : i32
      %add3A_184 = arith.constant 5632 : i32
      %add3A_185 = arith.addi %add3A_184, %mul3A_183 : i32
      %dma_start3A_186 = tpu.memref_slice %arg13[%add3A_185] : memref<22528xf32, #tpu.memory_space<vmem>> -> memref<128xf32, #tpu.memory_space<vmem>>
      %dma_start3A_187 = tpu.memref_slice %arg12[%mul3A_166] : memref<2816xi32, #tpu.memory_space<vmem>> -> memref<128xi32, #tpu.memory_space<vmem>>
      %dma_start3A_188 = arith.constant 0 : i32
      %dma_start3A_189 = tpu.memref_slice %arg5[%dma_start3A_188] : memref<1007616xf32, #tpu.memory_space<hbm>> -> memref<1007616xf32, #tpu.memory_space<hbm>>
      tpu.enqueue_indirect_dma source(%dma_start3A_189 : memref<1007616xf32, #tpu.memory_space<hbm>>) target(%dma_start3A_186 : memref<128xf32, #tpu.memory_space<vmem>>) offsets(%dma_start3A_187 : memref<128xi32, #tpu.memory_space<vmem>>) semaphore(%arg15 : memref<!tpu.dma_semaphore, #tpu.memory_space<semaphore_mem>>)
      %mul3A_190 = arith.constant 128 : i32
      %mul3A_191 = arith.muli %scan3A_164, %mul3A_190 : i32
      %add3A_192 = arith.constant 8448 : i32
      %add3A_193 = arith.addi %add3A_192, %mul3A_191 : i32
      %dma_start3A_194 = tpu.memref_slice %arg13[%add3A_193] : memref<22528xf32, #tpu.memory_space<vmem>> -> memref<128xf32, #tpu.memory_space<vmem>>
      %dma_start3A_195 = tpu.memref_slice %arg12[%mul3A_166] : memref<2816xi32, #tpu.memory_space<vmem>> -> memref<128xi32, #tpu.memory_space<vmem>>
      %dma_start3A_196 = arith.constant 0 : i32
      %dma_start3A_197 = tpu.memref_slice %arg6[%dma_start3A_196] : memref<1007616xf32, #tpu.memory_space<hbm>> -> memref<1007616xf32, #tpu.memory_space<hbm>>
      tpu.enqueue_indirect_dma source(%dma_start3A_197 : memref<1007616xf32, #tpu.memory_space<hbm>>) target(%dma_start3A_194 : memref<128xf32, #tpu.memory_space<vmem>>) offsets(%dma_start3A_195 : memref<128xi32, #tpu.memory_space<vmem>>) semaphore(%arg15 : memref<!tpu.dma_semaphore, #tpu.memory_space<semaphore_mem>>)
      %mul3A_198 = arith.constant 128 : i32
      %mul3A_199 = arith.muli %scan3A_164, %mul3A_198 : i32
      %add3A_200 = arith.constant 11264 : i32
      %add3A_201 = arith.addi %add3A_200, %mul3A_199 : i32
      %dma_start3A_202 = tpu.memref_slice %arg13[%add3A_201] : memref<22528xf32, #tpu.memory_space<vmem>> -> memref<128xf32, #tpu.memory_space<vmem>>
      %dma_start3A_203 = tpu.memref_slice %arg12[%mul3A_166] : memref<2816xi32, #tpu.memory_space<vmem>> -> memref<128xi32, #tpu.memory_space<vmem>>
      %dma_start3A_204 = arith.constant 0 : i32
      %dma_start3A_205 = tpu.memref_slice %arg7[%dma_start3A_204] : memref<1007616xf32, #tpu.memory_space<hbm>> -> memref<1007616xf32, #tpu.memory_space<hbm>>
      tpu.enqueue_indirect_dma source(%dma_start3A_205 : memref<1007616xf32, #tpu.memory_space<hbm>>) target(%dma_start3A_202 : memref<128xf32, #tpu.memory_space<vmem>>) offsets(%dma_start3A_203 : memref<128xi32, #tpu.memory_space<vmem>>) semaphore(%arg15 : memref<!tpu.dma_semaphore, #tpu.memory_space<semaphore_mem>>)
      %mul3A_206 = arith.constant 128 : i32
      %mul3A_207 = arith.muli %scan3A_164, %mul3A_206 : i32
      %add3A_208 = arith.constant 14080 : i32
      %add3A_209 = arith.addi %add3A_208, %mul3A_207 : i32
      %dma_start3A_210 = tpu.memref_slice %arg13[%add3A_209] : memref<22528xf32, #tpu.memory_space<vmem>> -> memref<128xf32, #tpu.memory_space<vmem>>
      %dma_start3A_211 = tpu.memref_slice %arg12[%mul3A_166] : memref<2816xi32, #tpu.memory_space<vmem>> -> memref<128xi32, #tpu.memory_space<vmem>>
      %dma_start3A_212 = arith.constant 0 : i32
      %dma_start3A_213 = tpu.memref_slice %arg8[%dma_start3A_212] : memref<1007616xf32, #tpu.memory_space<hbm>> -> memref<1007616xf32, #tpu.memory_space<hbm>>
      tpu.enqueue_indirect_dma source(%dma_start3A_213 : memref<1007616xf32, #tpu.memory_space<hbm>>) target(%dma_start3A_210 : memref<128xf32, #tpu.memory_space<vmem>>) offsets(%dma_start3A_211 : memref<128xi32, #tpu.memory_space<vmem>>) semaphore(%arg15 : memref<!tpu.dma_semaphore, #tpu.memory_space<semaphore_mem>>)
      %mul3A_214 = arith.constant 128 : i32
      %mul3A_215 = arith.muli %scan3A_164, %mul3A_214 : i32
      %add3A_216 = arith.constant 16896 : i32
      %add3A_217 = arith.addi %add3A_216, %mul3A_215 : i32
      %dma_start3A_218 = tpu.memref_slice %arg13[%add3A_217] : memref<22528xf32, #tpu.memory_space<vmem>> -> memref<128xf32, #tpu.memory_space<vmem>>
      %dma_start3A_219 = tpu.memref_slice %arg12[%mul3A_166] : memref<2816xi32, #tpu.memory_space<vmem>> -> memref<128xi32, #tpu.memory_space<vmem>>
      %dma_start3A_220 = arith.constant 0 : i32
      %dma_start3A_221 = tpu.memref_slice %arg9[%dma_start3A_220] : memref<1007616xf32, #tpu.memory_space<hbm>> -> memref<1007616xf32, #tpu.memory_space<hbm>>
      tpu.enqueue_indirect_dma source(%dma_start3A_221 : memref<1007616xf32, #tpu.memory_space<hbm>>) target(%dma_start3A_218 : memref<128xf32, #tpu.memory_space<vmem>>) offsets(%dma_start3A_219 : memref<128xi32, #tpu.memory_space<vmem>>) semaphore(%arg15 : memref<!tpu.dma_semaphore, #tpu.memory_space<semaphore_mem>>)
      %mul3A_222 = arith.constant 128 : i32
      %mul3A_223 = arith.muli %scan3A_164, %mul3A_222 : i32
      %add3A_224 = arith.constant 19712 : i32
      %add3A_225 = arith.addi %add3A_224, %mul3A_223 : i32
      %dma_start3A_226 = tpu.memref_slice %arg13[%add3A_225] : memref<22528xf32, #tpu.memory_space<vmem>> -> memref<128xf32, #tpu.memory_space<vmem>>
      %dma_start3A_227 = tpu.memref_slice %arg12[%mul3A_166] : memref<2816xi32, #tpu.memory_space<vmem>> -> memref<128xi32, #tpu.memory_space<vmem>>
      %dma_start3A_228 = arith.constant 0 : i32
      %dma_start3A_229 = tpu.memref_slice %arg10[%dma_start3A_228] : memref<1007616xf32, #tpu.memory_space<hbm>> -> memref<1007616xf32, #tpu.memory_space<hbm>>
      tpu.enqueue_indirect_dma source(%dma_start3A_229 : memref<1007616xf32, #tpu.memory_space<hbm>>) target(%dma_start3A_226 : memref<128xf32, #tpu.memory_space<vmem>>) offsets(%dma_start3A_227 : memref<128xi32, #tpu.memory_space<vmem>>) semaphore(%arg15 : memref<!tpu.dma_semaphore, #tpu.memory_space<semaphore_mem>>)
      %gt3A = arith.constant 1 : i32
      %gt3A_230 = arith.cmpi sgt, %scan3A_164, %gt3A : i32
      %convert_element_type3A_231 = arith.extui %gt3A_230 : i1 to i32
      %cond3A = arith.constant 0 : i32
      %cond3A_232 = arith.cmpi ne, %convert_element_type3A_231, %cond3A : i32
      scf.if %cond3A_232 {
        %sub3A = arith.constant 2 : i32
        %sub3A_233 = arith.subi %scan3A_164, %sub3A : i32
        %mul3A_234 = arith.constant 128 : i32
        %mul3A_235 = arith.muli %sub3A_233, %mul3A_234 : i32
        %add3A_236 = arith.constant 0 : i32
        %add3A_237 = arith.addi %add3A_236, %mul3A_235 : i32
        %dma_wait3A_238 = tpu.memref_slice %arg13[%add3A_237] : memref<22528xf32, #tpu.memory_space<vmem>> -> memref<128xf32, #tpu.memory_space<vmem>>
        %dma_wait3A_239 = arith.constant 0 : i32
        %dma_wait3A_240 = tpu.memref_slice %arg3[%dma_wait3A_239] : memref<1007616xf32, #tpu.memory_space<hbm>> -> memref<128xf32, #tpu.memory_space<hbm>>
        %dma_wait3A_241 = tpu.memref_slice %arg13[%add3A_237] : memref<22528xf32, #tpu.memory_space<vmem>> -> memref<128xf32, #tpu.memory_space<vmem>>
        %dma_wait3A_242 = arith.constant 0 : i32
        %dma_wait3A_243 = tpu.memref_slice %arg3[%dma_wait3A_242] : memref<1007616xf32, #tpu.memory_space<hbm>> -> memref<128xf32, #tpu.memory_space<hbm>>
        tpu.wait_dma2 semaphore(%arg15 : memref<!tpu.dma_semaphore, #tpu.memory_space<semaphore_mem>>) src(%dma_wait3A_243 : memref<128xf32, #tpu.memory_space<hbm>>) dst(%dma_wait3A_241 : memref<128xf32, #tpu.memory_space<vmem>>)
        %mul3A_244 = arith.constant 128 : i32
        %mul3A_245 = arith.muli %sub3A_233, %mul3A_244 : i32
        %add3A_246 = arith.constant 2816 : i32
        %add3A_247 = arith.addi %add3A_246, %mul3A_245 : i32
        %dma_wait3A_248 = tpu.memref_slice %arg13[%add3A_247] : memref<22528xf32, #tpu.memory_space<vmem>> -> memref<128xf32, #tpu.memory_space<vmem>>
        %dma_wait3A_249 = arith.constant 0 : i32
        %dma_wait3A_250 = tpu.memref_slice %arg4[%dma_wait3A_249] : memref<1007616xf32, #tpu.memory_space<hbm>> -> memref<128xf32, #tpu.memory_space<hbm>>
        %dma_wait3A_251 = tpu.memref_slice %arg13[%add3A_247] : memref<22528xf32, #tpu.memory_space<vmem>> -> memref<128xf32, #tpu.memory_space<vmem>>
        %dma_wait3A_252 = arith.constant 0 : i32
        %dma_wait3A_253 = tpu.memref_slice %arg4[%dma_wait3A_252] : memref<1007616xf32, #tpu.memory_space<hbm>> -> memref<128xf32, #tpu.memory_space<hbm>>
        tpu.wait_dma2 semaphore(%arg15 : memref<!tpu.dma_semaphore, #tpu.memory_space<semaphore_mem>>) src(%dma_wait3A_253 : memref<128xf32, #tpu.memory_space<hbm>>) dst(%dma_wait3A_251 : memref<128xf32, #tpu.memory_space<vmem>>)
        %mul3A_254 = arith.constant 128 : i32
        %mul3A_255 = arith.muli %sub3A_233, %mul3A_254 : i32
        %add3A_256 = arith.constant 5632 : i32
        %add3A_257 = arith.addi %add3A_256, %mul3A_255 : i32
        %dma_wait3A_258 = tpu.memref_slice %arg13[%add3A_257] : memref<22528xf32, #tpu.memory_space<vmem>> -> memref<128xf32, #tpu.memory_space<vmem>>
        %dma_wait3A_259 = arith.constant 0 : i32
        %dma_wait3A_260 = tpu.memref_slice %arg5[%dma_wait3A_259] : memref<1007616xf32, #tpu.memory_space<hbm>> -> memref<128xf32, #tpu.memory_space<hbm>>
        %dma_wait3A_261 = tpu.memref_slice %arg13[%add3A_257] : memref<22528xf32, #tpu.memory_space<vmem>> -> memref<128xf32, #tpu.memory_space<vmem>>
        %dma_wait3A_262 = arith.constant 0 : i32
        %dma_wait3A_263 = tpu.memref_slice %arg5[%dma_wait3A_262] : memref<1007616xf32, #tpu.memory_space<hbm>> -> memref<128xf32, #tpu.memory_space<hbm>>
        tpu.wait_dma2 semaphore(%arg15 : memref<!tpu.dma_semaphore, #tpu.memory_space<semaphore_mem>>) src(%dma_wait3A_263 : memref<128xf32, #tpu.memory_space<hbm>>) dst(%dma_wait3A_261 : memref<128xf32, #tpu.memory_space<vmem>>)
        %mul3A_264 = arith.constant 128 : i32
        %mul3A_265 = arith.muli %sub3A_233, %mul3A_264 : i32
        %add3A_266 = arith.constant 8448 : i32
        %add3A_267 = arith.addi %add3A_266, %mul3A_265 : i32
        %dma_wait3A_268 = tpu.memref_slice %arg13[%add3A_267] : memref<22528xf32, #tpu.memory_space<vmem>> -> memref<128xf32, #tpu.memory_space<vmem>>
        %dma_wait3A_269 = arith.constant 0 : i32
        %dma_wait3A_270 = tpu.memref_slice %arg6[%dma_wait3A_269] : memref<1007616xf32, #tpu.memory_space<hbm>> -> memref<128xf32, #tpu.memory_space<hbm>>
        %dma_wait3A_271 = tpu.memref_slice %arg13[%add3A_267] : memref<22528xf32, #tpu.memory_space<vmem>> -> memref<128xf32, #tpu.memory_space<vmem>>
        %dma_wait3A_272 = arith.constant 0 : i32
        %dma_wait3A_273 = tpu.memref_slice %arg6[%dma_wait3A_272] : memref<1007616xf32, #tpu.memory_space<hbm>> -> memref<128xf32, #tpu.memory_space<hbm>>
        tpu.wait_dma2 semaphore(%arg15 : memref<!tpu.dma_semaphore, #tpu.memory_space<semaphore_mem>>) src(%dma_wait3A_273 : memref<128xf32, #tpu.memory_space<hbm>>) dst(%dma_wait3A_271 : memref<128xf32, #tpu.memory_space<vmem>>)
        %mul3A_274 = arith.constant 128 : i32
        %mul3A_275 = arith.muli %sub3A_233, %mul3A_274 : i32
        %add3A_276 = arith.constant 11264 : i32
        %add3A_277 = arith.addi %add3A_276, %mul3A_275 : i32
        %dma_wait3A_278 = tpu.memref_slice %arg13[%add3A_277] : memref<22528xf32, #tpu.memory_space<vmem>> -> memref<128xf32, #tpu.memory_space<vmem>>
        %dma_wait3A_279 = arith.constant 0 : i32
        %dma_wait3A_280 = tpu.memref_slice %arg7[%dma_wait3A_279] : memref<1007616xf32, #tpu.memory_space<hbm>> -> memref<128xf32, #tpu.memory_space<hbm>>
        %dma_wait3A_281 = tpu.memref_slice %arg13[%add3A_277] : memref<22528xf32, #tpu.memory_space<vmem>> -> memref<128xf32, #tpu.memory_space<vmem>>
        %dma_wait3A_282 = arith.constant 0 : i32
        %dma_wait3A_283 = tpu.memref_slice %arg7[%dma_wait3A_282] : memref<1007616xf32, #tpu.memory_space<hbm>> -> memref<128xf32, #tpu.memory_space<hbm>>
        tpu.wait_dma2 semaphore(%arg15 : memref<!tpu.dma_semaphore, #tpu.memory_space<semaphore_mem>>) src(%dma_wait3A_283 : memref<128xf32, #tpu.memory_space<hbm>>) dst(%dma_wait3A_281 : memref<128xf32, #tpu.memory_space<vmem>>)
        %mul3A_284 = arith.constant 128 : i32
        %mul3A_285 = arith.muli %sub3A_233, %mul3A_284 : i32
        %add3A_286 = arith.constant 14080 : i32
        %add3A_287 = arith.addi %add3A_286, %mul3A_285 : i32
        %dma_wait3A_288 = tpu.memref_slice %arg13[%add3A_287] : memref<22528xf32, #tpu.memory_space<vmem>> -> memref<128xf32, #tpu.memory_space<vmem>>
        %dma_wait3A_289 = arith.constant 0 : i32
        %dma_wait3A_290 = tpu.memref_slice %arg8[%dma_wait3A_289] : memref<1007616xf32, #tpu.memory_space<hbm>> -> memref<128xf32, #tpu.memory_space<hbm>>
        %dma_wait3A_291 = tpu.memref_slice %arg13[%add3A_287] : memref<22528xf32, #tpu.memory_space<vmem>> -> memref<128xf32, #tpu.memory_space<vmem>>
        %dma_wait3A_292 = arith.constant 0 : i32
        %dma_wait3A_293 = tpu.memref_slice %arg8[%dma_wait3A_292] : memref<1007616xf32, #tpu.memory_space<hbm>> -> memref<128xf32, #tpu.memory_space<hbm>>
        tpu.wait_dma2 semaphore(%arg15 : memref<!tpu.dma_semaphore, #tpu.memory_space<semaphore_mem>>) src(%dma_wait3A_293 : memref<128xf32, #tpu.memory_space<hbm>>) dst(%dma_wait3A_291 : memref<128xf32, #tpu.memory_space<vmem>>)
        %mul3A_294 = arith.constant 128 : i32
        %mul3A_295 = arith.muli %sub3A_233, %mul3A_294 : i32
        %add3A_296 = arith.constant 16896 : i32
        %add3A_297 = arith.addi %add3A_296, %mul3A_295 : i32
        %dma_wait3A_298 = tpu.memref_slice %arg13[%add3A_297] : memref<22528xf32, #tpu.memory_space<vmem>> -> memref<128xf32, #tpu.memory_space<vmem>>
        %dma_wait3A_299 = arith.constant 0 : i32
        %dma_wait3A_300 = tpu.memref_slice %arg9[%dma_wait3A_299] : memref<1007616xf32, #tpu.memory_space<hbm>> -> memref<128xf32, #tpu.memory_space<hbm>>
        %dma_wait3A_301 = tpu.memref_slice %arg13[%add3A_297] : memref<22528xf32, #tpu.memory_space<vmem>> -> memref<128xf32, #tpu.memory_space<vmem>>
        %dma_wait3A_302 = arith.constant 0 : i32
        %dma_wait3A_303 = tpu.memref_slice %arg9[%dma_wait3A_302] : memref<1007616xf32, #tpu.memory_space<hbm>> -> memref<128xf32, #tpu.memory_space<hbm>>
        tpu.wait_dma2 semaphore(%arg15 : memref<!tpu.dma_semaphore, #tpu.memory_space<semaphore_mem>>) src(%dma_wait3A_303 : memref<128xf32, #tpu.memory_space<hbm>>) dst(%dma_wait3A_301 : memref<128xf32, #tpu.memory_space<vmem>>)
        %mul3A_304 = arith.constant 128 : i32
        %mul3A_305 = arith.muli %sub3A_233, %mul3A_304 : i32
        %add3A_306 = arith.constant 19712 : i32
        %add3A_307 = arith.addi %add3A_306, %mul3A_305 : i32
        %dma_wait3A_308 = tpu.memref_slice %arg13[%add3A_307] : memref<22528xf32, #tpu.memory_space<vmem>> -> memref<128xf32, #tpu.memory_space<vmem>>
        %dma_wait3A_309 = arith.constant 0 : i32
        %dma_wait3A_310 = tpu.memref_slice %arg10[%dma_wait3A_309] : memref<1007616xf32, #tpu.memory_space<hbm>> -> memref<128xf32, #tpu.memory_space<hbm>>
        %dma_wait3A_311 = tpu.memref_slice %arg13[%add3A_307] : memref<22528xf32, #tpu.memory_space<vmem>> -> memref<128xf32, #tpu.memory_space<vmem>>
        %dma_wait3A_312 = arith.constant 0 : i32
        %dma_wait3A_313 = tpu.memref_slice %arg10[%dma_wait3A_312] : memref<1007616xf32, #tpu.memory_space<hbm>> -> memref<128xf32, #tpu.memory_space<hbm>>
        tpu.wait_dma2 semaphore(%arg15 : memref<!tpu.dma_semaphore, #tpu.memory_space<semaphore_mem>>) src(%dma_wait3A_313 : memref<128xf32, #tpu.memory_space<hbm>>) dst(%dma_wait3A_311 : memref<128xf32, #tpu.memory_space<vmem>>)
      } else {
      }
    }
    %scan3A_7 = arith.constant 22 : i32
    %dma_wait3A = arith.constant 2560 : i32
    %dma_wait3A_8 = tpu.memref_slice %arg13[%dma_wait3A] : memref<22528xf32, #tpu.memory_space<vmem>> -> memref<128xf32, #tpu.memory_space<vmem>>
    %dma_wait3A_9 = arith.constant 0 : i32
    %dma_wait3A_10 = tpu.memref_slice %arg3[%dma_wait3A_9] : memref<1007616xf32, #tpu.memory_space<hbm>> -> memref<128xf32, #tpu.memory_space<hbm>>
    %dma_wait3A_11 = arith.constant 2560 : i32
    %dma_wait3A_12 = tpu.memref_slice %arg13[%dma_wait3A_11] : memref<22528xf32, #tpu.memory_space<vmem>> -> memref<128xf32, #tpu.memory_space<vmem>>
    %dma_wait3A_13 = arith.constant 0 : i32
    %dma_wait3A_14 = tpu.memref_slice %arg3[%dma_wait3A_13] : memref<1007616xf32, #tpu.memory_space<hbm>> -> memref<128xf32, #tpu.memory_space<hbm>>
    tpu.wait_dma2 semaphore(%arg15 : memref<!tpu.dma_semaphore, #tpu.memory_space<semaphore_mem>>) src(%dma_wait3A_14 : memref<128xf32, #tpu.memory_space<hbm>>) dst(%dma_wait3A_12 : memref<128xf32, #tpu.memory_space<vmem>>)
    %dma_wait3A_15 = arith.constant 5376 : i32
    %dma_wait3A_16 = tpu.memref_slice %arg13[%dma_wait3A_15] : memref<22528xf32, #tpu.memory_space<vmem>> -> memref<128xf32, #tpu.memory_space<vmem>>
    %dma_wait3A_17 = arith.constant 0 : i32
    %dma_wait3A_18 = tpu.memref_slice %arg4[%dma_wait3A_17] : memref<1007616xf32, #tpu.memory_space<hbm>> -> memref<128xf32, #tpu.memory_space<hbm>>
    %dma_wait3A_19 = arith.constant 5376 : i32
    %dma_wait3A_20 = tpu.memref_slice %arg13[%dma_wait3A_19] : memref<22528xf32, #tpu.memory_space<vmem>> -> memref<128xf32, #tpu.memory_space<vmem>>
    %dma_wait3A_21 = arith.constant 0 : i32
    %dma_wait3A_22 = tpu.memref_slice %arg4[%dma_wait3A_21] : memref<1007616xf32, #tpu.memory_space<hbm>> -> memref<128xf32, #tpu.memory_space<hbm>>
    tpu.wait_dma2 semaphore(%arg15 : memref<!tpu.dma_semaphore, #tpu.memory_space<semaphore_mem>>) src(%dma_wait3A_22 : memref<128xf32, #tpu.memory_space<hbm>>) dst(%dma_wait3A_20 : memref<128xf32, #tpu.memory_space<vmem>>)
    %dma_wait3A_23 = arith.constant 8192 : i32
    %dma_wait3A_24 = tpu.memref_slice %arg13[%dma_wait3A_23] : memref<22528xf32, #tpu.memory_space<vmem>> -> memref<128xf32, #tpu.memory_space<vmem>>
    %dma_wait3A_25 = arith.constant 0 : i32
    %dma_wait3A_26 = tpu.memref_slice %arg5[%dma_wait3A_25] : memref<1007616xf32, #tpu.memory_space<hbm>> -> memref<128xf32, #tpu.memory_space<hbm>>
    %dma_wait3A_27 = arith.constant 8192 : i32
    %dma_wait3A_28 = tpu.memref_slice %arg13[%dma_wait3A_27] : memref<22528xf32, #tpu.memory_space<vmem>> -> memref<128xf32, #tpu.memory_space<vmem>>
    %dma_wait3A_29 = arith.constant 0 : i32
    %dma_wait3A_30 = tpu.memref_slice %arg5[%dma_wait3A_29] : memref<1007616xf32, #tpu.memory_space<hbm>> -> memref<128xf32, #tpu.memory_space<hbm>>
    tpu.wait_dma2 semaphore(%arg15 : memref<!tpu.dma_semaphore, #tpu.memory_space<semaphore_mem>>) src(%dma_wait3A_30 : memref<128xf32, #tpu.memory_space<hbm>>) dst(%dma_wait3A_28 : memref<128xf32, #tpu.memory_space<vmem>>)
    %dma_wait3A_31 = arith.constant 11008 : i32
    %dma_wait3A_32 = tpu.memref_slice %arg13[%dma_wait3A_31] : memref<22528xf32, #tpu.memory_space<vmem>> -> memref<128xf32, #tpu.memory_space<vmem>>
    %dma_wait3A_33 = arith.constant 0 : i32
    %dma_wait3A_34 = tpu.memref_slice %arg6[%dma_wait3A_33] : memref<1007616xf32, #tpu.memory_space<hbm>> -> memref<128xf32, #tpu.memory_space<hbm>>
    %dma_wait3A_35 = arith.constant 11008 : i32
    %dma_wait3A_36 = tpu.memref_slice %arg13[%dma_wait3A_35] : memref<22528xf32, #tpu.memory_space<vmem>> -> memref<128xf32, #tpu.memory_space<vmem>>
    %dma_wait3A_37 = arith.constant 0 : i32
    %dma_wait3A_38 = tpu.memref_slice %arg6[%dma_wait3A_37] : memref<1007616xf32, #tpu.memory_space<hbm>> -> memref<128xf32, #tpu.memory_space<hbm>>
    tpu.wait_dma2 semaphore(%arg15 : memref<!tpu.dma_semaphore, #tpu.memory_space<semaphore_mem>>) src(%dma_wait3A_38 : memref<128xf32, #tpu.memory_space<hbm>>) dst(%dma_wait3A_36 : memref<128xf32, #tpu.memory_space<vmem>>)
    %dma_wait3A_39 = arith.constant 13824 : i32
    %dma_wait3A_40 = tpu.memref_slice %arg13[%dma_wait3A_39] : memref<22528xf32, #tpu.memory_space<vmem>> -> memref<128xf32, #tpu.memory_space<vmem>>
    %dma_wait3A_41 = arith.constant 0 : i32
    %dma_wait3A_42 = tpu.memref_slice %arg7[%dma_wait3A_41] : memref<1007616xf32, #tpu.memory_space<hbm>> -> memref<128xf32, #tpu.memory_space<hbm>>
    %dma_wait3A_43 = arith.constant 13824 : i32
    %dma_wait3A_44 = tpu.memref_slice %arg13[%dma_wait3A_43] : memref<22528xf32, #tpu.memory_space<vmem>> -> memref<128xf32, #tpu.memory_space<vmem>>
    %dma_wait3A_45 = arith.constant 0 : i32
    %dma_wait3A_46 = tpu.memref_slice %arg7[%dma_wait3A_45] : memref<1007616xf32, #tpu.memory_space<hbm>> -> memref<128xf32, #tpu.memory_space<hbm>>
    tpu.wait_dma2 semaphore(%arg15 : memref<!tpu.dma_semaphore, #tpu.memory_space<semaphore_mem>>) src(%dma_wait3A_46 : memref<128xf32, #tpu.memory_space<hbm>>) dst(%dma_wait3A_44 : memref<128xf32, #tpu.memory_space<vmem>>)
    %dma_wait3A_47 = arith.constant 16640 : i32
    %dma_wait3A_48 = tpu.memref_slice %arg13[%dma_wait3A_47] : memref<22528xf32, #tpu.memory_space<vmem>> -> memref<128xf32, #tpu.memory_space<vmem>>
    %dma_wait3A_49 = arith.constant 0 : i32
    %dma_wait3A_50 = tpu.memref_slice %arg8[%dma_wait3A_49] : memref<1007616xf32, #tpu.memory_space<hbm>> -> memref<128xf32, #tpu.memory_space<hbm>>
    %dma_wait3A_51 = arith.constant 16640 : i32
    %dma_wait3A_52 = tpu.memref_slice %arg13[%dma_wait3A_51] : memref<22528xf32, #tpu.memory_space<vmem>> -> memref<128xf32, #tpu.memory_space<vmem>>
    %dma_wait3A_53 = arith.constant 0 : i32
    %dma_wait3A_54 = tpu.memref_slice %arg8[%dma_wait3A_53] : memref<1007616xf32, #tpu.memory_space<hbm>> -> memref<128xf32, #tpu.memory_space<hbm>>
    tpu.wait_dma2 semaphore(%arg15 : memref<!tpu.dma_semaphore, #tpu.memory_space<semaphore_mem>>) src(%dma_wait3A_54 : memref<128xf32, #tpu.memory_space<hbm>>) dst(%dma_wait3A_52 : memref<128xf32, #tpu.memory_space<vmem>>)
    %dma_wait3A_55 = arith.constant 19456 : i32
    %dma_wait3A_56 = tpu.memref_slice %arg13[%dma_wait3A_55] : memref<22528xf32, #tpu.memory_space<vmem>> -> memref<128xf32, #tpu.memory_space<vmem>>
    %dma_wait3A_57 = arith.constant 0 : i32
    %dma_wait3A_58 = tpu.memref_slice %arg9[%dma_wait3A_57] : memref<1007616xf32, #tpu.memory_space<hbm>> -> memref<128xf32, #tpu.memory_space<hbm>>
    %dma_wait3A_59 = arith.constant 19456 : i32
    %dma_wait3A_60 = tpu.memref_slice %arg13[%dma_wait3A_59] : memref<22528xf32, #tpu.memory_space<vmem>> -> memref<128xf32, #tpu.memory_space<vmem>>
    %dma_wait3A_61 = arith.constant 0 : i32
    %dma_wait3A_62 = tpu.memref_slice %arg9[%dma_wait3A_61] : memref<1007616xf32, #tpu.memory_space<hbm>> -> memref<128xf32, #tpu.memory_space<hbm>>
    tpu.wait_dma2 semaphore(%arg15 : memref<!tpu.dma_semaphore, #tpu.memory_space<semaphore_mem>>) src(%dma_wait3A_62 : memref<128xf32, #tpu.memory_space<hbm>>) dst(%dma_wait3A_60 : memref<128xf32, #tpu.memory_space<vmem>>)
    %dma_wait3A_63 = arith.constant 22272 : i32
    %dma_wait3A_64 = tpu.memref_slice %arg13[%dma_wait3A_63] : memref<22528xf32, #tpu.memory_space<vmem>> -> memref<128xf32, #tpu.memory_space<vmem>>
    %dma_wait3A_65 = arith.constant 0 : i32
    %dma_wait3A_66 = tpu.memref_slice %arg10[%dma_wait3A_65] : memref<1007616xf32, #tpu.memory_space<hbm>> -> memref<128xf32, #tpu.memory_space<hbm>>
    %dma_wait3A_67 = arith.constant 22272 : i32
    %dma_wait3A_68 = tpu.memref_slice %arg13[%dma_wait3A_67] : memref<22528xf32, #tpu.memory_space<vmem>> -> memref<128xf32, #tpu.memory_space<vmem>>
    %dma_wait3A_69 = arith.constant 0 : i32
    %dma_wait3A_70 = tpu.memref_slice %arg10[%dma_wait3A_69] : memref<1007616xf32, #tpu.memory_space<hbm>> -> memref<128xf32, #tpu.memory_space<hbm>>
    tpu.wait_dma2 semaphore(%arg15 : memref<!tpu.dma_semaphore, #tpu.memory_space<semaphore_mem>>) src(%dma_wait3A_70 : memref<128xf32, #tpu.memory_space<hbm>>) dst(%dma_wait3A_68 : memref<128xf32, #tpu.memory_space<vmem>>)
    %dma_wait3A_71 = arith.constant 2688 : i32
    %dma_wait3A_72 = tpu.memref_slice %arg13[%dma_wait3A_71] : memref<22528xf32, #tpu.memory_space<vmem>> -> memref<128xf32, #tpu.memory_space<vmem>>
    %dma_wait3A_73 = arith.constant 0 : i32
    %dma_wait3A_74 = tpu.memref_slice %arg3[%dma_wait3A_73] : memref<1007616xf32, #tpu.memory_space<hbm>> -> memref<128xf32, #tpu.memory_space<hbm>>
    %dma_wait3A_75 = arith.constant 2688 : i32
    %dma_wait3A_76 = tpu.memref_slice %arg13[%dma_wait3A_75] : memref<22528xf32, #tpu.memory_space<vmem>> -> memref<128xf32, #tpu.memory_space<vmem>>
    %dma_wait3A_77 = arith.constant 0 : i32
    %dma_wait3A_78 = tpu.memref_slice %arg3[%dma_wait3A_77] : memref<1007616xf32, #tpu.memory_space<hbm>> -> memref<128xf32, #tpu.memory_space<hbm>>
    tpu.wait_dma2 semaphore(%arg15 : memref<!tpu.dma_semaphore, #tpu.memory_space<semaphore_mem>>) src(%dma_wait3A_78 : memref<128xf32, #tpu.memory_space<hbm>>) dst(%dma_wait3A_76 : memref<128xf32, #tpu.memory_space<vmem>>)
    %dma_wait3A_79 = arith.constant 5504 : i32
    %dma_wait3A_80 = tpu.memref_slice %arg13[%dma_wait3A_79] : memref<22528xf32, #tpu.memory_space<vmem>> -> memref<128xf32, #tpu.memory_space<vmem>>
    %dma_wait3A_81 = arith.constant 0 : i32
    %dma_wait3A_82 = tpu.memref_slice %arg4[%dma_wait3A_81] : memref<1007616xf32, #tpu.memory_space<hbm>> -> memref<128xf32, #tpu.memory_space<hbm>>
    %dma_wait3A_83 = arith.constant 5504 : i32
    %dma_wait3A_84 = tpu.memref_slice %arg13[%dma_wait3A_83] : memref<22528xf32, #tpu.memory_space<vmem>> -> memref<128xf32, #tpu.memory_space<vmem>>
    %dma_wait3A_85 = arith.constant 0 : i32
    %dma_wait3A_86 = tpu.memref_slice %arg4[%dma_wait3A_85] : memref<1007616xf32, #tpu.memory_space<hbm>> -> memref<128xf32, #tpu.memory_space<hbm>>
    tpu.wait_dma2 semaphore(%arg15 : memref<!tpu.dma_semaphore, #tpu.memory_space<semaphore_mem>>) src(%dma_wait3A_86 : memref<128xf32, #tpu.memory_space<hbm>>) dst(%dma_wait3A_84 : memref<128xf32, #tpu.memory_space<vmem>>)
    %dma_wait3A_87 = arith.constant 8320 : i32
    %dma_wait3A_88 = tpu.memref_slice %arg13[%dma_wait3A_87] : memref<22528xf32, #tpu.memory_space<vmem>> -> memref<128xf32, #tpu.memory_space<vmem>>
    %dma_wait3A_89 = arith.constant 0 : i32
    %dma_wait3A_90 = tpu.memref_slice %arg5[%dma_wait3A_89] : memref<1007616xf32, #tpu.memory_space<hbm>> -> memref<128xf32, #tpu.memory_space<hbm>>
    %dma_wait3A_91 = arith.constant 8320 : i32
    %dma_wait3A_92 = tpu.memref_slice %arg13[%dma_wait3A_91] : memref<22528xf32, #tpu.memory_space<vmem>> -> memref<128xf32, #tpu.memory_space<vmem>>
    %dma_wait3A_93 = arith.constant 0 : i32
    %dma_wait3A_94 = tpu.memref_slice %arg5[%dma_wait3A_93] : memref<1007616xf32, #tpu.memory_space<hbm>> -> memref<128xf32, #tpu.memory_space<hbm>>
    tpu.wait_dma2 semaphore(%arg15 : memref<!tpu.dma_semaphore, #tpu.memory_space<semaphore_mem>>) src(%dma_wait3A_94 : memref<128xf32, #tpu.memory_space<hbm>>) dst(%dma_wait3A_92 : memref<128xf32, #tpu.memory_space<vmem>>)
    %dma_wait3A_95 = arith.constant 11136 : i32
    %dma_wait3A_96 = tpu.memref_slice %arg13[%dma_wait3A_95] : memref<22528xf32, #tpu.memory_space<vmem>> -> memref<128xf32, #tpu.memory_space<vmem>>
    %dma_wait3A_97 = arith.constant 0 : i32
    %dma_wait3A_98 = tpu.memref_slice %arg6[%dma_wait3A_97] : memref<1007616xf32, #tpu.memory_space<hbm>> -> memref<128xf32, #tpu.memory_space<hbm>>
    %dma_wait3A_99 = arith.constant 11136 : i32
    %dma_wait3A_100 = tpu.memref_slice %arg13[%dma_wait3A_99] : memref<22528xf32, #tpu.memory_space<vmem>> -> memref<128xf32, #tpu.memory_space<vmem>>
    %dma_wait3A_101 = arith.constant 0 : i32
    %dma_wait3A_102 = tpu.memref_slice %arg6[%dma_wait3A_101] : memref<1007616xf32, #tpu.memory_space<hbm>> -> memref<128xf32, #tpu.memory_space<hbm>>
    tpu.wait_dma2 semaphore(%arg15 : memref<!tpu.dma_semaphore, #tpu.memory_space<semaphore_mem>>) src(%dma_wait3A_102 : memref<128xf32, #tpu.memory_space<hbm>>) dst(%dma_wait3A_100 : memref<128xf32, #tpu.memory_space<vmem>>)
    %dma_wait3A_103 = arith.constant 13952 : i32
    %dma_wait3A_104 = tpu.memref_slice %arg13[%dma_wait3A_103] : memref<22528xf32, #tpu.memory_space<vmem>> -> memref<128xf32, #tpu.memory_space<vmem>>
    %dma_wait3A_105 = arith.constant 0 : i32
    %dma_wait3A_106 = tpu.memref_slice %arg7[%dma_wait3A_105] : memref<1007616xf32, #tpu.memory_space<hbm>> -> memref<128xf32, #tpu.memory_space<hbm>>
    %dma_wait3A_107 = arith.constant 13952 : i32
    %dma_wait3A_108 = tpu.memref_slice %arg13[%dma_wait3A_107] : memref<22528xf32, #tpu.memory_space<vmem>> -> memref<128xf32, #tpu.memory_space<vmem>>
    %dma_wait3A_109 = arith.constant 0 : i32
    %dma_wait3A_110 = tpu.memref_slice %arg7[%dma_wait3A_109] : memref<1007616xf32, #tpu.memory_space<hbm>> -> memref<128xf32, #tpu.memory_space<hbm>>
    tpu.wait_dma2 semaphore(%arg15 : memref<!tpu.dma_semaphore, #tpu.memory_space<semaphore_mem>>) src(%dma_wait3A_110 : memref<128xf32, #tpu.memory_space<hbm>>) dst(%dma_wait3A_108 : memref<128xf32, #tpu.memory_space<vmem>>)
    %dma_wait3A_111 = arith.constant 16768 : i32
    %dma_wait3A_112 = tpu.memref_slice %arg13[%dma_wait3A_111] : memref<22528xf32, #tpu.memory_space<vmem>> -> memref<128xf32, #tpu.memory_space<vmem>>
    %dma_wait3A_113 = arith.constant 0 : i32
    %dma_wait3A_114 = tpu.memref_slice %arg8[%dma_wait3A_113] : memref<1007616xf32, #tpu.memory_space<hbm>> -> memref<128xf32, #tpu.memory_space<hbm>>
    %dma_wait3A_115 = arith.constant 16768 : i32
    %dma_wait3A_116 = tpu.memref_slice %arg13[%dma_wait3A_115] : memref<22528xf32, #tpu.memory_space<vmem>> -> memref<128xf32, #tpu.memory_space<vmem>>
    %dma_wait3A_117 = arith.constant 0 : i32
    %dma_wait3A_118 = tpu.memref_slice %arg8[%dma_wait3A_117] : memref<1007616xf32, #tpu.memory_space<hbm>> -> memref<128xf32, #tpu.memory_space<hbm>>
    tpu.wait_dma2 semaphore(%arg15 : memref<!tpu.dma_semaphore, #tpu.memory_space<semaphore_mem>>) src(%dma_wait3A_118 : memref<128xf32, #tpu.memory_space<hbm>>) dst(%dma_wait3A_116 : memref<128xf32, #tpu.memory_space<vmem>>)
    %dma_wait3A_119 = arith.constant 19584 : i32
    %dma_wait3A_120 = tpu.memref_slice %arg13[%dma_wait3A_119] : memref<22528xf32, #tpu.memory_space<vmem>> -> memref<128xf32, #tpu.memory_space<vmem>>
    %dma_wait3A_121 = arith.constant 0 : i32
    %dma_wait3A_122 = tpu.memref_slice %arg9[%dma_wait3A_121] : memref<1007616xf32, #tpu.memory_space<hbm>> -> memref<128xf32, #tpu.memory_space<hbm>>
    %dma_wait3A_123 = arith.constant 19584 : i32
    %dma_wait3A_124 = tpu.memref_slice %arg13[%dma_wait3A_123] : memref<22528xf32, #tpu.memory_space<vmem>> -> memref<128xf32, #tpu.memory_space<vmem>>
    %dma_wait3A_125 = arith.constant 0 : i32
    %dma_wait3A_126 = tpu.memref_slice %arg9[%dma_wait3A_125] : memref<1007616xf32, #tpu.memory_space<hbm>> -> memref<128xf32, #tpu.memory_space<hbm>>
    tpu.wait_dma2 semaphore(%arg15 : memref<!tpu.dma_semaphore, #tpu.memory_space<semaphore_mem>>) src(%dma_wait3A_126 : memref<128xf32, #tpu.memory_space<hbm>>) dst(%dma_wait3A_124 : memref<128xf32, #tpu.memory_space<vmem>>)
    %dma_wait3A_127 = arith.constant 22400 : i32
    %dma_wait3A_128 = tpu.memref_slice %arg13[%dma_wait3A_127] : memref<22528xf32, #tpu.memory_space<vmem>> -> memref<128xf32, #tpu.memory_space<vmem>>
    %dma_wait3A_129 = arith.constant 0 : i32
    %dma_wait3A_130 = tpu.memref_slice %arg10[%dma_wait3A_129] : memref<1007616xf32, #tpu.memory_space<hbm>> -> memref<128xf32, #tpu.memory_space<hbm>>
    %dma_wait3A_131 = arith.constant 22400 : i32
    %dma_wait3A_132 = tpu.memref_slice %arg13[%dma_wait3A_131] : memref<22528xf32, #tpu.memory_space<vmem>> -> memref<128xf32, #tpu.memory_space<vmem>>
    %dma_wait3A_133 = arith.constant 0 : i32
    %dma_wait3A_134 = tpu.memref_slice %arg10[%dma_wait3A_133] : memref<1007616xf32, #tpu.memory_space<hbm>> -> memref<128xf32, #tpu.memory_space<hbm>>
    tpu.wait_dma2 semaphore(%arg15 : memref<!tpu.dma_semaphore, #tpu.memory_space<semaphore_mem>>) src(%dma_wait3A_134 : memref<128xf32, #tpu.memory_space<hbm>>) dst(%dma_wait3A_132 : memref<128xf32, #tpu.memory_space<vmem>>)
    %iota3A = tpu.iota {dimensions = array<i32: 0>} : vector<16xi32>
    %jit3A = arith.constant 8 : i32
    %eq3A = arith.constant 0 : i32
    %eq3A_135 = arith.cmpi eq, %jit3A, %eq3A : i32
    %jit3A_136 = arith.constant 1 : i32
    %select_n3A = arith.select %eq3A_135, %jit3A_136, %jit3A : i32
    %rem3A = vector.broadcast %select_n3A : i32 to vector<16xi32>
    %rem3A_137 = arith.remsi %iota3A, %rem3A : vector<16xi32>
    %ne3A = arith.constant 0 : i32
    %ne3A_138 = vector.broadcast %ne3A : i32 to vector<16xi32>
    %ne3A_139 = arith.cmpi ne, %rem3A_137, %ne3A_138 : vector<16xi32>
    %lt3A = arith.constant 0 : i32
    %lt3A_140 = vector.broadcast %lt3A : i32 to vector<16xi32>
    %lt3A_141 = arith.cmpi slt, %rem3A_137, %lt3A_140 : vector<16xi32>
    %lt3A_142 = arith.constant 0 : i32
    %lt3A_143 = arith.cmpi slt, %select_n3A, %lt3A_142 : i32
    %ne3A_144 = vector.broadcast %lt3A_143 : i1 to vector<16xi1>
    %ne3A_145 = vector.broadcast %ne3A_144 : vector<16xi1> to vector<16xi1>
    %ne3A_146 = arith.xori %lt3A_141, %ne3A_145 : vector<16xi1>
    %and3A = arith.andi %ne3A_146, %ne3A_139 : vector<16xi1>
    %add3A_147 = vector.broadcast %select_n3A : i32 to vector<16xi32>
    %add3A_148 = arith.addi %rem3A_137, %add3A_147 : vector<16xi32>
    %select_n3A_149 = arith.select %and3A, %add3A_148, %rem3A_137 : vector<16xi1>, vector<16xi32>
    %ge3A = arith.constant 8 : i32
    %ge3A_150 = vector.broadcast %ge3A : i32 to vector<16xi32>
    %ge3A_151 = arith.cmpi sge, %iota3A, %ge3A_150 : vector<16xi32>
    %convert_element_type3A = arith.extui %ge3A_151 : vector<16xi1> to vector<16xi32>
    %mul3A_152 = arith.constant 2816 : i32
    %mul3A_153 = vector.broadcast %mul3A_152 : i32 to vector<16xi32>
    %mul3A_154 = arith.muli %select_n3A_149, %mul3A_153 : vector<16xi32>
    %broadcast_in_dim3A = arith.constant 0 : i32
    %broadcast_in_dim3A_155 = vector.broadcast %broadcast_in_dim3A : i32 to vector<16xi32>
    %scan3A_156 = arith.constant 0 : i32
    %scan3A_157 = arith.constant 1408 : i32
    %scan3A_158 = arith.addi %scan3A_156, %scan3A_157 : i32
    %scan3A_159 = arith.constant 4 : i32
    %scan3A_160 = scf.for %scan3A_164 = %scan3A_156 to %scan3A_158 step %scan3A_159 iter_args(%scan3A_165 = %broadcast_in_dim3A_155) -> (vector<16xi32>)  : i32 {
      %add3A_166 = arith.addi %scan3A_165, %convert_element_type3A : vector<16xi32>
      %add3A_167 = arith.addi %mul3A_154, %add3A_166 : vector<16xi32>
      %gather3A = tpu.vector_load_idx %arg13[%add3A_167] : memref<22528xf32, #tpu.memory_space<vmem>>[vector<16xi32>], vector<16xf32>,
      %mul3A_168 = arith.constant 8 : i32
      %mul3A_169 = vector.broadcast %mul3A_168 : i32 to vector<16xi32>
      %mul3A_170 = arith.muli %add3A_166, %mul3A_169 : vector<16xi32>
      %add3A_171 = arith.addi %mul3A_170, %select_n3A_149 : vector<16xi32>
      tpu.vector_store_idx %arg14[%add3A_171], %gather3A : memref<22528xf32, #tpu.memory_space<vmem>>[vector<16xi32>], vector<16xf32>,
      %add3A_172 = arith.constant 2 : i32
      %add3A_173 = vector.broadcast %add3A_172 : i32 to vector<16xi32>
      %add3A_174 = arith.addi %scan3A_165, %add3A_173 : vector<16xi32>
      %scan3A_175 = arith.constant 1 : i32
      %scan3A_176 = arith.addi %scan3A_164, %scan3A_175 : i32
      %add3A_177 = arith.addi %add3A_174, %convert_element_type3A : vector<16xi32>
      %add3A_178 = arith.addi %mul3A_154, %add3A_177 : vector<16xi32>
      %gather3A_179 = tpu.vector_load_idx %arg13[%add3A_178] : memref<22528xf32, #tpu.memory_space<vmem>>[vector<16xi32>], vector<16xf32>,
      %mul3A_180 = arith.constant 8 : i32
      %mul3A_181 = vector.broadcast %mul3A_180 : i32 to vector<16xi32>
      %mul3A_182 = arith.muli %add3A_177, %mul3A_181 : vector<16xi32>
      %add3A_183 = arith.addi %mul3A_182, %select_n3A_149 : vector<16xi32>
      tpu.vector_store_idx %arg14[%add3A_183], %gather3A_179 : memref<22528xf32, #tpu.memory_space<vmem>>[vector<16xi32>], vector<16xf32>,
      %add3A_184 = arith.constant 2 : i32
      %add3A_185 = vector.broadcast %add3A_184 : i32 to vector<16xi32>
      %add3A_186 = arith.addi %add3A_174, %add3A_185 : vector<16xi32>
      %scan3A_187 = arith.constant 2 : i32
      %scan3A_188 = arith.addi %scan3A_164, %scan3A_187 : i32
      %add3A_189 = arith.addi %add3A_186, %convert_element_type3A : vector<16xi32>
      %add3A_190 = arith.addi %mul3A_154, %add3A_189 : vector<16xi32>
      %gather3A_191 = tpu.vector_load_idx %arg13[%add3A_190] : memref<22528xf32, #tpu.memory_space<vmem>>[vector<16xi32>], vector<16xf32>,
      %mul3A_192 = arith.constant 8 : i32
      %mul3A_193 = vector.broadcast %mul3A_192 : i32 to vector<16xi32>
      %mul3A_194 = arith.muli %add3A_189, %mul3A_193 : vector<16xi32>
      %add3A_195 = arith.addi %mul3A_194, %select_n3A_149 : vector<16xi32>
      tpu.vector_store_idx %arg14[%add3A_195], %gather3A_191 : memref<22528xf32, #tpu.memory_space<vmem>>[vector<16xi32>], vector<16xf32>,
      %add3A_196 = arith.constant 2 : i32
      %add3A_197 = vector.broadcast %add3A_196 : i32 to vector<16xi32>
      %add3A_198 = arith.addi %add3A_186, %add3A_197 : vector<16xi32>
      %scan3A_199 = arith.constant 3 : i32
      %scan3A_200 = arith.addi %scan3A_164, %scan3A_199 : i32
      %add3A_201 = arith.addi %add3A_198, %convert_element_type3A : vector<16xi32>
      %add3A_202 = arith.addi %mul3A_154, %add3A_201 : vector<16xi32>
      %gather3A_203 = tpu.vector_load_idx %arg13[%add3A_202] : memref<22528xf32, #tpu.memory_space<vmem>>[vector<16xi32>], vector<16xf32>,
      %mul3A_204 = arith.constant 8 : i32
      %mul3A_205 = vector.broadcast %mul3A_204 : i32 to vector<16xi32>
      %mul3A_206 = arith.muli %add3A_201, %mul3A_205 : vector<16xi32>
      %add3A_207 = arith.addi %mul3A_206, %select_n3A_149 : vector<16xi32>
      tpu.vector_store_idx %arg14[%add3A_207], %gather3A_203 : memref<22528xf32, #tpu.memory_space<vmem>>[vector<16xi32>], vector<16xf32>,
      %add3A_208 = arith.constant 2 : i32
      %add3A_209 = vector.broadcast %add3A_208 : i32 to vector<16xi32>
      %add3A_210 = arith.addi %add3A_198, %add3A_209 : vector<16xi32>
      scf.yield %add3A_210 : vector<16xi32>
    }
    %scan3A_161 = arith.constant 1408 : i32
    %mul3A_162 = arith.constant 8 : i32
    %mul3A_163 = arith.muli %mul3A_2, %mul3A_162 : i32
    "tpu.region"() ({
      %run_scoped3A = tpu.sem_alloc : memref<!tpu.dma_semaphore, #tpu.memory_space<semaphore_mem>>
      %dma_start3A = tpu.memref_slice %arg11[%mul3A_163] : memref<720896xf32, #tpu.memory_space<hbm>> -> memref<22528xf32, #tpu.memory_space<hbm>>
      %dma_start3A_164 = tpu.memref_slice %arg11[%mul3A_163] : memref<720896xf32, #tpu.memory_space<hbm>> -> memref<22528xf32, #tpu.memory_space<hbm>>
      tpu.enqueue_dma source(%arg14 : memref<22528xf32, #tpu.memory_space<vmem>>) target(%dma_start3A_164 : memref<22528xf32, #tpu.memory_space<hbm>>) target_semaphore(%run_scoped3A : memref<!tpu.dma_semaphore, #tpu.memory_space<semaphore_mem>>)
      %dma_wait3A_165 = tpu.memref_slice %arg11[%mul3A_163] : memref<720896xf32, #tpu.memory_space<hbm>> -> memref<22528xf32, #tpu.memory_space<hbm>>
      %dma_wait3A_166 = tpu.memref_slice %arg11[%mul3A_163] : memref<720896xf32, #tpu.memory_space<hbm>> -> memref<22528xf32, #tpu.memory_space<hbm>>
      tpu.wait_dma2 semaphore(%run_scoped3A : memref<!tpu.dma_semaphore, #tpu.memory_space<semaphore_mem>>) src(%arg14 : memref<22528xf32, #tpu.memory_space<vmem>>) dst(%dma_wait3A_166 : memref<22528xf32, #tpu.memory_space<hbm>>)
      tpu.yield
    }) : () -> ()
    return
  }
}

#map = affine_map<(d0, d1) -> (0)>
module attributes {stable_mosaic.version = 14 : i64} {
  func.func @gather_kernel(%arg0: i32, %arg1: i32, %arg2: memref<90112xi32, #tpu.memory_space<hbm>>, %arg3: memref<1007616xf32, #tpu.memory_space<hbm>>, %arg4: memref<1007616xf32, #tpu.memory_space<hbm>>, %arg5: memref<1007616xf32, #tpu.memory_space<hbm>>, %arg6: memref<1007616xf32, #tpu.memory_space<hbm>>, %arg7: memref<1007616xf32, #tpu.memory_space<hbm>>, %arg8: memref<1007616xf32, #tpu.memory_space<hbm>>, %arg9: memref<1007616xf32, #tpu.memory_space<hbm>>, %arg10: memref<1007616xf32, #tpu.memory_space<hbm>>, %arg11: memref<1000000xf32, #tpu.memory_space<hbm>>, %arg12: memref<720896xf32, #tpu.memory_space<hbm>>, %arg13: memref<90112xf32, #tpu.memory_space<hbm>>, %arg14: memref<2816xi32, #tpu.memory_space<vmem>>, %arg15: memref<22528xf32, #tpu.memory_space<vmem>>, %arg16: memref<22528xf32, #tpu.memory_space<vmem>>, %arg17: memref<!tpu.dma_semaphore, #tpu.memory_space<semaphore_mem>>, %arg18: memref<2816xf32, #tpu.memory_space<vmem>>, %arg19: memref<!tpu.dma_semaphore, #tpu.memory_space<semaphore_mem>>) attributes {dimension_semantics = [#tpu.dimension_semantics<core_parallel>, #tpu.dimension_semantics<subcore_parallel>], iteration_bounds = array<i64: 2, 16>, scalar_prefetch = 0 : i64, scratch_operands = 6 : i64, tpu.core_type = #tpu.core_type<sc_vector_subcore>, window_params = [{transform_indices = #map}, {transform_indices = #map}, {transform_indices = #map}, {transform_indices = #map}, {transform_indices = #map}, {transform_indices = #map}, {transform_indices = #map}, {transform_indices = #map}, {transform_indices = #map}, {transform_indices = #map}, {transform_indices = #map}, {transform_indices = #map}]} {
    %mul3A = arith.constant 2 : i32
    %mul3A_0 = arith.muli %arg1, %mul3A : i32
    %add3A = arith.addi %mul3A_0, %arg0 : i32
    %mul3A_1 = arith.constant 2816 : i32
    %mul3A_2 = arith.muli %add3A, %mul3A_1 : i32
    "tpu.region"() ({
      %run_scoped3A = tpu.sem_alloc : memref<!tpu.dma_semaphore, #tpu.memory_space<semaphore_mem>>
      %dma_start3A = tpu.memref_slice %arg2[%mul3A_2] : memref<90112xi32, #tpu.memory_space<hbm>> -> memref<2816xi32, #tpu.memory_space<hbm>>
      %dma_start3A_180 = tpu.memref_slice %arg2[%mul3A_2] : memref<90112xi32, #tpu.memory_space<hbm>> -> memref<2816xi32, #tpu.memory_space<hbm>>
      tpu.enqueue_dma source(%dma_start3A_180 : memref<2816xi32, #tpu.memory_space<hbm>>) target(%arg14 : memref<2816xi32, #tpu.memory_space<vmem>>) target_semaphore(%run_scoped3A : memref<!tpu.dma_semaphore, #tpu.memory_space<semaphore_mem>>)
      %dma_wait3A_181 = tpu.memref_slice %arg2[%mul3A_2] : memref<90112xi32, #tpu.memory_space<hbm>> -> memref<2816xi32, #tpu.memory_space<hbm>>
      %dma_wait3A_182 = tpu.memref_slice %arg2[%mul3A_2] : memref<90112xi32, #tpu.memory_space<hbm>> -> memref<2816xi32, #tpu.memory_space<hbm>>
      tpu.wait_dma2 semaphore(%run_scoped3A : memref<!tpu.dma_semaphore, #tpu.memory_space<semaphore_mem>>) src(%dma_wait3A_182 : memref<2816xi32, #tpu.memory_space<hbm>>) dst(%arg14 : memref<2816xi32, #tpu.memory_space<vmem>>)
      tpu.yield
    }) : () -> ()
    %scan3A = arith.constant 0 : i32
    %scan3A_3 = arith.constant 0 : i32
    %scan3A_4 = arith.constant 22 : i32
    %scan3A_5 = arith.addi %scan3A_3, %scan3A_4 : i32
    %scan3A_6 = arith.constant 1 : i32
    scf.for %scan3A_180 = %scan3A_3 to %scan3A_5 step %scan3A_6  : i32 {
      %mul3A_181 = arith.constant 128 : i32
      %mul3A_182 = arith.muli %scan3A_180, %mul3A_181 : i32
      %mul3A_183 = arith.constant 128 : i32
      %mul3A_184 = arith.muli %scan3A_180, %mul3A_183 : i32
      %dma_start3A = tpu.memref_slice %arg18[%mul3A_184] : memref<2816xf32, #tpu.memory_space<vmem>> -> memref<128xf32, #tpu.memory_space<vmem>>
      %dma_start3A_185 = tpu.memref_slice %arg14[%mul3A_182] : memref<2816xi32, #tpu.memory_space<vmem>> -> memref<128xi32, #tpu.memory_space<vmem>>
      %dma_start3A_186 = arith.constant 0 : i32
      %dma_start3A_187 = tpu.memref_slice %arg11[%dma_start3A_186] : memref<1000000xf32, #tpu.memory_space<hbm>> -> memref<1000000xf32, #tpu.memory_space<hbm>>
      tpu.enqueue_indirect_dma source(%dma_start3A_187 : memref<1000000xf32, #tpu.memory_space<hbm>>) target(%dma_start3A : memref<128xf32, #tpu.memory_space<vmem>>) offsets(%dma_start3A_185 : memref<128xi32, #tpu.memory_space<vmem>>) semaphore(%arg19 : memref<!tpu.dma_semaphore, #tpu.memory_space<semaphore_mem>>)
      %mul3A_188 = arith.constant 128 : i32
      %mul3A_189 = arith.muli %scan3A_180, %mul3A_188 : i32
      %add3A_190 = arith.constant 0 : i32
      %add3A_191 = arith.addi %add3A_190, %mul3A_189 : i32
      %dma_start3A_192 = tpu.memref_slice %arg15[%add3A_191] : memref<22528xf32, #tpu.memory_space<vmem>> -> memref<128xf32, #tpu.memory_space<vmem>>
      %dma_start3A_193 = tpu.memref_slice %arg14[%mul3A_182] : memref<2816xi32, #tpu.memory_space<vmem>> -> memref<128xi32, #tpu.memory_space<vmem>>
      %dma_start3A_194 = arith.constant 0 : i32
      %dma_start3A_195 = tpu.memref_slice %arg3[%dma_start3A_194] : memref<1007616xf32, #tpu.memory_space<hbm>> -> memref<1007616xf32, #tpu.memory_space<hbm>>
      tpu.enqueue_indirect_dma source(%dma_start3A_195 : memref<1007616xf32, #tpu.memory_space<hbm>>) target(%dma_start3A_192 : memref<128xf32, #tpu.memory_space<vmem>>) offsets(%dma_start3A_193 : memref<128xi32, #tpu.memory_space<vmem>>) semaphore(%arg17 : memref<!tpu.dma_semaphore, #tpu.memory_space<semaphore_mem>>)
      %mul3A_196 = arith.constant 128 : i32
      %mul3A_197 = arith.muli %scan3A_180, %mul3A_196 : i32
      %add3A_198 = arith.constant 2816 : i32
      %add3A_199 = arith.addi %add3A_198, %mul3A_197 : i32
      %dma_start3A_200 = tpu.memref_slice %arg15[%add3A_199] : memref<22528xf32, #tpu.memory_space<vmem>> -> memref<128xf32, #tpu.memory_space<vmem>>
      %dma_start3A_201 = tpu.memref_slice %arg14[%mul3A_182] : memref<2816xi32, #tpu.memory_space<vmem>> -> memref<128xi32, #tpu.memory_space<vmem>>
      %dma_start3A_202 = arith.constant 0 : i32
      %dma_start3A_203 = tpu.memref_slice %arg4[%dma_start3A_202] : memref<1007616xf32, #tpu.memory_space<hbm>> -> memref<1007616xf32, #tpu.memory_space<hbm>>
      tpu.enqueue_indirect_dma source(%dma_start3A_203 : memref<1007616xf32, #tpu.memory_space<hbm>>) target(%dma_start3A_200 : memref<128xf32, #tpu.memory_space<vmem>>) offsets(%dma_start3A_201 : memref<128xi32, #tpu.memory_space<vmem>>) semaphore(%arg17 : memref<!tpu.dma_semaphore, #tpu.memory_space<semaphore_mem>>)
      %mul3A_204 = arith.constant 128 : i32
      %mul3A_205 = arith.muli %scan3A_180, %mul3A_204 : i32
      %add3A_206 = arith.constant 5632 : i32
      %add3A_207 = arith.addi %add3A_206, %mul3A_205 : i32
      %dma_start3A_208 = tpu.memref_slice %arg15[%add3A_207] : memref<22528xf32, #tpu.memory_space<vmem>> -> memref<128xf32, #tpu.memory_space<vmem>>
      %dma_start3A_209 = tpu.memref_slice %arg14[%mul3A_182] : memref<2816xi32, #tpu.memory_space<vmem>> -> memref<128xi32, #tpu.memory_space<vmem>>
      %dma_start3A_210 = arith.constant 0 : i32
      %dma_start3A_211 = tpu.memref_slice %arg5[%dma_start3A_210] : memref<1007616xf32, #tpu.memory_space<hbm>> -> memref<1007616xf32, #tpu.memory_space<hbm>>
      tpu.enqueue_indirect_dma source(%dma_start3A_211 : memref<1007616xf32, #tpu.memory_space<hbm>>) target(%dma_start3A_208 : memref<128xf32, #tpu.memory_space<vmem>>) offsets(%dma_start3A_209 : memref<128xi32, #tpu.memory_space<vmem>>) semaphore(%arg17 : memref<!tpu.dma_semaphore, #tpu.memory_space<semaphore_mem>>)
      %mul3A_212 = arith.constant 128 : i32
      %mul3A_213 = arith.muli %scan3A_180, %mul3A_212 : i32
      %add3A_214 = arith.constant 8448 : i32
      %add3A_215 = arith.addi %add3A_214, %mul3A_213 : i32
      %dma_start3A_216 = tpu.memref_slice %arg15[%add3A_215] : memref<22528xf32, #tpu.memory_space<vmem>> -> memref<128xf32, #tpu.memory_space<vmem>>
      %dma_start3A_217 = tpu.memref_slice %arg14[%mul3A_182] : memref<2816xi32, #tpu.memory_space<vmem>> -> memref<128xi32, #tpu.memory_space<vmem>>
      %dma_start3A_218 = arith.constant 0 : i32
      %dma_start3A_219 = tpu.memref_slice %arg6[%dma_start3A_218] : memref<1007616xf32, #tpu.memory_space<hbm>> -> memref<1007616xf32, #tpu.memory_space<hbm>>
      tpu.enqueue_indirect_dma source(%dma_start3A_219 : memref<1007616xf32, #tpu.memory_space<hbm>>) target(%dma_start3A_216 : memref<128xf32, #tpu.memory_space<vmem>>) offsets(%dma_start3A_217 : memref<128xi32, #tpu.memory_space<vmem>>) semaphore(%arg17 : memref<!tpu.dma_semaphore, #tpu.memory_space<semaphore_mem>>)
      %mul3A_220 = arith.constant 128 : i32
      %mul3A_221 = arith.muli %scan3A_180, %mul3A_220 : i32
      %add3A_222 = arith.constant 11264 : i32
      %add3A_223 = arith.addi %add3A_222, %mul3A_221 : i32
      %dma_start3A_224 = tpu.memref_slice %arg15[%add3A_223] : memref<22528xf32, #tpu.memory_space<vmem>> -> memref<128xf32, #tpu.memory_space<vmem>>
      %dma_start3A_225 = tpu.memref_slice %arg14[%mul3A_182] : memref<2816xi32, #tpu.memory_space<vmem>> -> memref<128xi32, #tpu.memory_space<vmem>>
      %dma_start3A_226 = arith.constant 0 : i32
      %dma_start3A_227 = tpu.memref_slice %arg7[%dma_start3A_226] : memref<1007616xf32, #tpu.memory_space<hbm>> -> memref<1007616xf32, #tpu.memory_space<hbm>>
      tpu.enqueue_indirect_dma source(%dma_start3A_227 : memref<1007616xf32, #tpu.memory_space<hbm>>) target(%dma_start3A_224 : memref<128xf32, #tpu.memory_space<vmem>>) offsets(%dma_start3A_225 : memref<128xi32, #tpu.memory_space<vmem>>) semaphore(%arg17 : memref<!tpu.dma_semaphore, #tpu.memory_space<semaphore_mem>>)
      %mul3A_228 = arith.constant 128 : i32
      %mul3A_229 = arith.muli %scan3A_180, %mul3A_228 : i32
      %add3A_230 = arith.constant 14080 : i32
      %add3A_231 = arith.addi %add3A_230, %mul3A_229 : i32
      %dma_start3A_232 = tpu.memref_slice %arg15[%add3A_231] : memref<22528xf32, #tpu.memory_space<vmem>> -> memref<128xf32, #tpu.memory_space<vmem>>
      %dma_start3A_233 = tpu.memref_slice %arg14[%mul3A_182] : memref<2816xi32, #tpu.memory_space<vmem>> -> memref<128xi32, #tpu.memory_space<vmem>>
      %dma_start3A_234 = arith.constant 0 : i32
      %dma_start3A_235 = tpu.memref_slice %arg8[%dma_start3A_234] : memref<1007616xf32, #tpu.memory_space<hbm>> -> memref<1007616xf32, #tpu.memory_space<hbm>>
      tpu.enqueue_indirect_dma source(%dma_start3A_235 : memref<1007616xf32, #tpu.memory_space<hbm>>) target(%dma_start3A_232 : memref<128xf32, #tpu.memory_space<vmem>>) offsets(%dma_start3A_233 : memref<128xi32, #tpu.memory_space<vmem>>) semaphore(%arg17 : memref<!tpu.dma_semaphore, #tpu.memory_space<semaphore_mem>>)
      %mul3A_236 = arith.constant 128 : i32
      %mul3A_237 = arith.muli %scan3A_180, %mul3A_236 : i32
      %add3A_238 = arith.constant 16896 : i32
      %add3A_239 = arith.addi %add3A_238, %mul3A_237 : i32
      %dma_start3A_240 = tpu.memref_slice %arg15[%add3A_239] : memref<22528xf32, #tpu.memory_space<vmem>> -> memref<128xf32, #tpu.memory_space<vmem>>
      %dma_start3A_241 = tpu.memref_slice %arg14[%mul3A_182] : memref<2816xi32, #tpu.memory_space<vmem>> -> memref<128xi32, #tpu.memory_space<vmem>>
      %dma_start3A_242 = arith.constant 0 : i32
      %dma_start3A_243 = tpu.memref_slice %arg9[%dma_start3A_242] : memref<1007616xf32, #tpu.memory_space<hbm>> -> memref<1007616xf32, #tpu.memory_space<hbm>>
      tpu.enqueue_indirect_dma source(%dma_start3A_243 : memref<1007616xf32, #tpu.memory_space<hbm>>) target(%dma_start3A_240 : memref<128xf32, #tpu.memory_space<vmem>>) offsets(%dma_start3A_241 : memref<128xi32, #tpu.memory_space<vmem>>) semaphore(%arg17 : memref<!tpu.dma_semaphore, #tpu.memory_space<semaphore_mem>>)
      %mul3A_244 = arith.constant 128 : i32
      %mul3A_245 = arith.muli %scan3A_180, %mul3A_244 : i32
      %add3A_246 = arith.constant 19712 : i32
      %add3A_247 = arith.addi %add3A_246, %mul3A_245 : i32
      %dma_start3A_248 = tpu.memref_slice %arg15[%add3A_247] : memref<22528xf32, #tpu.memory_space<vmem>> -> memref<128xf32, #tpu.memory_space<vmem>>
      %dma_start3A_249 = tpu.memref_slice %arg14[%mul3A_182] : memref<2816xi32, #tpu.memory_space<vmem>> -> memref<128xi32, #tpu.memory_space<vmem>>
      %dma_start3A_250 = arith.constant 0 : i32
      %dma_start3A_251 = tpu.memref_slice %arg10[%dma_start3A_250] : memref<1007616xf32, #tpu.memory_space<hbm>> -> memref<1007616xf32, #tpu.memory_space<hbm>>
      tpu.enqueue_indirect_dma source(%dma_start3A_251 : memref<1007616xf32, #tpu.memory_space<hbm>>) target(%dma_start3A_248 : memref<128xf32, #tpu.memory_space<vmem>>) offsets(%dma_start3A_249 : memref<128xi32, #tpu.memory_space<vmem>>) semaphore(%arg17 : memref<!tpu.dma_semaphore, #tpu.memory_space<semaphore_mem>>)
      %gt3A = arith.constant 1 : i32
      %gt3A_252 = arith.cmpi sgt, %scan3A_180, %gt3A : i32
      %convert_element_type3A_253 = arith.extui %gt3A_252 : i1 to i32
      %cond3A = arith.constant 0 : i32
      %cond3A_254 = arith.cmpi ne, %convert_element_type3A_253, %cond3A : i32
      scf.if %cond3A_254 {
        %sub3A = arith.constant 2 : i32
        %sub3A_255 = arith.subi %scan3A_180, %sub3A : i32
        %mul3A_256 = arith.constant 128 : i32
        %mul3A_257 = arith.muli %sub3A_255, %mul3A_256 : i32
        %dma_wait3A_258 = tpu.memref_slice %arg18[%mul3A_257] : memref<2816xf32, #tpu.memory_space<vmem>> -> memref<128xf32, #tpu.memory_space<vmem>>
        %dma_wait3A_259 = arith.constant 0 : i32
        %dma_wait3A_260 = tpu.memref_slice %arg11[%dma_wait3A_259] : memref<1000000xf32, #tpu.memory_space<hbm>> -> memref<128xf32, #tpu.memory_space<hbm>>
        %dma_wait3A_261 = tpu.memref_slice %arg18[%mul3A_257] : memref<2816xf32, #tpu.memory_space<vmem>> -> memref<128xf32, #tpu.memory_space<vmem>>
        %dma_wait3A_262 = arith.constant 0 : i32
        %dma_wait3A_263 = tpu.memref_slice %arg11[%dma_wait3A_262] : memref<1000000xf32, #tpu.memory_space<hbm>> -> memref<128xf32, #tpu.memory_space<hbm>>
        tpu.wait_dma2 semaphore(%arg19 : memref<!tpu.dma_semaphore, #tpu.memory_space<semaphore_mem>>) src(%dma_wait3A_263 : memref<128xf32, #tpu.memory_space<hbm>>) dst(%dma_wait3A_261 : memref<128xf32, #tpu.memory_space<vmem>>)
        %mul3A_264 = arith.constant 128 : i32
        %mul3A_265 = arith.muli %sub3A_255, %mul3A_264 : i32
        %add3A_266 = arith.constant 0 : i32
        %add3A_267 = arith.addi %add3A_266, %mul3A_265 : i32
        %dma_wait3A_268 = tpu.memref_slice %arg15[%add3A_267] : memref<22528xf32, #tpu.memory_space<vmem>> -> memref<128xf32, #tpu.memory_space<vmem>>
        %dma_wait3A_269 = arith.constant 0 : i32
        %dma_wait3A_270 = tpu.memref_slice %arg3[%dma_wait3A_269] : memref<1007616xf32, #tpu.memory_space<hbm>> -> memref<128xf32, #tpu.memory_space<hbm>>
        %dma_wait3A_271 = tpu.memref_slice %arg15[%add3A_267] : memref<22528xf32, #tpu.memory_space<vmem>> -> memref<128xf32, #tpu.memory_space<vmem>>
        %dma_wait3A_272 = arith.constant 0 : i32
        %dma_wait3A_273 = tpu.memref_slice %arg3[%dma_wait3A_272] : memref<1007616xf32, #tpu.memory_space<hbm>> -> memref<128xf32, #tpu.memory_space<hbm>>
        tpu.wait_dma2 semaphore(%arg17 : memref<!tpu.dma_semaphore, #tpu.memory_space<semaphore_mem>>) src(%dma_wait3A_273 : memref<128xf32, #tpu.memory_space<hbm>>) dst(%dma_wait3A_271 : memref<128xf32, #tpu.memory_space<vmem>>)
        %mul3A_274 = arith.constant 128 : i32
        %mul3A_275 = arith.muli %sub3A_255, %mul3A_274 : i32
        %add3A_276 = arith.constant 2816 : i32
        %add3A_277 = arith.addi %add3A_276, %mul3A_275 : i32
        %dma_wait3A_278 = tpu.memref_slice %arg15[%add3A_277] : memref<22528xf32, #tpu.memory_space<vmem>> -> memref<128xf32, #tpu.memory_space<vmem>>
        %dma_wait3A_279 = arith.constant 0 : i32
        %dma_wait3A_280 = tpu.memref_slice %arg4[%dma_wait3A_279] : memref<1007616xf32, #tpu.memory_space<hbm>> -> memref<128xf32, #tpu.memory_space<hbm>>
        %dma_wait3A_281 = tpu.memref_slice %arg15[%add3A_277] : memref<22528xf32, #tpu.memory_space<vmem>> -> memref<128xf32, #tpu.memory_space<vmem>>
        %dma_wait3A_282 = arith.constant 0 : i32
        %dma_wait3A_283 = tpu.memref_slice %arg4[%dma_wait3A_282] : memref<1007616xf32, #tpu.memory_space<hbm>> -> memref<128xf32, #tpu.memory_space<hbm>>
        tpu.wait_dma2 semaphore(%arg17 : memref<!tpu.dma_semaphore, #tpu.memory_space<semaphore_mem>>) src(%dma_wait3A_283 : memref<128xf32, #tpu.memory_space<hbm>>) dst(%dma_wait3A_281 : memref<128xf32, #tpu.memory_space<vmem>>)
        %mul3A_284 = arith.constant 128 : i32
        %mul3A_285 = arith.muli %sub3A_255, %mul3A_284 : i32
        %add3A_286 = arith.constant 5632 : i32
        %add3A_287 = arith.addi %add3A_286, %mul3A_285 : i32
        %dma_wait3A_288 = tpu.memref_slice %arg15[%add3A_287] : memref<22528xf32, #tpu.memory_space<vmem>> -> memref<128xf32, #tpu.memory_space<vmem>>
        %dma_wait3A_289 = arith.constant 0 : i32
        %dma_wait3A_290 = tpu.memref_slice %arg5[%dma_wait3A_289] : memref<1007616xf32, #tpu.memory_space<hbm>> -> memref<128xf32, #tpu.memory_space<hbm>>
        %dma_wait3A_291 = tpu.memref_slice %arg15[%add3A_287] : memref<22528xf32, #tpu.memory_space<vmem>> -> memref<128xf32, #tpu.memory_space<vmem>>
        %dma_wait3A_292 = arith.constant 0 : i32
        %dma_wait3A_293 = tpu.memref_slice %arg5[%dma_wait3A_292] : memref<1007616xf32, #tpu.memory_space<hbm>> -> memref<128xf32, #tpu.memory_space<hbm>>
        tpu.wait_dma2 semaphore(%arg17 : memref<!tpu.dma_semaphore, #tpu.memory_space<semaphore_mem>>) src(%dma_wait3A_293 : memref<128xf32, #tpu.memory_space<hbm>>) dst(%dma_wait3A_291 : memref<128xf32, #tpu.memory_space<vmem>>)
        %mul3A_294 = arith.constant 128 : i32
        %mul3A_295 = arith.muli %sub3A_255, %mul3A_294 : i32
        %add3A_296 = arith.constant 8448 : i32
        %add3A_297 = arith.addi %add3A_296, %mul3A_295 : i32
        %dma_wait3A_298 = tpu.memref_slice %arg15[%add3A_297] : memref<22528xf32, #tpu.memory_space<vmem>> -> memref<128xf32, #tpu.memory_space<vmem>>
        %dma_wait3A_299 = arith.constant 0 : i32
        %dma_wait3A_300 = tpu.memref_slice %arg6[%dma_wait3A_299] : memref<1007616xf32, #tpu.memory_space<hbm>> -> memref<128xf32, #tpu.memory_space<hbm>>
        %dma_wait3A_301 = tpu.memref_slice %arg15[%add3A_297] : memref<22528xf32, #tpu.memory_space<vmem>> -> memref<128xf32, #tpu.memory_space<vmem>>
        %dma_wait3A_302 = arith.constant 0 : i32
        %dma_wait3A_303 = tpu.memref_slice %arg6[%dma_wait3A_302] : memref<1007616xf32, #tpu.memory_space<hbm>> -> memref<128xf32, #tpu.memory_space<hbm>>
        tpu.wait_dma2 semaphore(%arg17 : memref<!tpu.dma_semaphore, #tpu.memory_space<semaphore_mem>>) src(%dma_wait3A_303 : memref<128xf32, #tpu.memory_space<hbm>>) dst(%dma_wait3A_301 : memref<128xf32, #tpu.memory_space<vmem>>)
        %mul3A_304 = arith.constant 128 : i32
        %mul3A_305 = arith.muli %sub3A_255, %mul3A_304 : i32
        %add3A_306 = arith.constant 11264 : i32
        %add3A_307 = arith.addi %add3A_306, %mul3A_305 : i32
        %dma_wait3A_308 = tpu.memref_slice %arg15[%add3A_307] : memref<22528xf32, #tpu.memory_space<vmem>> -> memref<128xf32, #tpu.memory_space<vmem>>
        %dma_wait3A_309 = arith.constant 0 : i32
        %dma_wait3A_310 = tpu.memref_slice %arg7[%dma_wait3A_309] : memref<1007616xf32, #tpu.memory_space<hbm>> -> memref<128xf32, #tpu.memory_space<hbm>>
        %dma_wait3A_311 = tpu.memref_slice %arg15[%add3A_307] : memref<22528xf32, #tpu.memory_space<vmem>> -> memref<128xf32, #tpu.memory_space<vmem>>
        %dma_wait3A_312 = arith.constant 0 : i32
        %dma_wait3A_313 = tpu.memref_slice %arg7[%dma_wait3A_312] : memref<1007616xf32, #tpu.memory_space<hbm>> -> memref<128xf32, #tpu.memory_space<hbm>>
        tpu.wait_dma2 semaphore(%arg17 : memref<!tpu.dma_semaphore, #tpu.memory_space<semaphore_mem>>) src(%dma_wait3A_313 : memref<128xf32, #tpu.memory_space<hbm>>) dst(%dma_wait3A_311 : memref<128xf32, #tpu.memory_space<vmem>>)
        %mul3A_314 = arith.constant 128 : i32
        %mul3A_315 = arith.muli %sub3A_255, %mul3A_314 : i32
        %add3A_316 = arith.constant 14080 : i32
        %add3A_317 = arith.addi %add3A_316, %mul3A_315 : i32
        %dma_wait3A_318 = tpu.memref_slice %arg15[%add3A_317] : memref<22528xf32, #tpu.memory_space<vmem>> -> memref<128xf32, #tpu.memory_space<vmem>>
        %dma_wait3A_319 = arith.constant 0 : i32
        %dma_wait3A_320 = tpu.memref_slice %arg8[%dma_wait3A_319] : memref<1007616xf32, #tpu.memory_space<hbm>> -> memref<128xf32, #tpu.memory_space<hbm>>
        %dma_wait3A_321 = tpu.memref_slice %arg15[%add3A_317] : memref<22528xf32, #tpu.memory_space<vmem>> -> memref<128xf32, #tpu.memory_space<vmem>>
        %dma_wait3A_322 = arith.constant 0 : i32
        %dma_wait3A_323 = tpu.memref_slice %arg8[%dma_wait3A_322] : memref<1007616xf32, #tpu.memory_space<hbm>> -> memref<128xf32, #tpu.memory_space<hbm>>
        tpu.wait_dma2 semaphore(%arg17 : memref<!tpu.dma_semaphore, #tpu.memory_space<semaphore_mem>>) src(%dma_wait3A_323 : memref<128xf32, #tpu.memory_space<hbm>>) dst(%dma_wait3A_321 : memref<128xf32, #tpu.memory_space<vmem>>)
        %mul3A_324 = arith.constant 128 : i32
        %mul3A_325 = arith.muli %sub3A_255, %mul3A_324 : i32
        %add3A_326 = arith.constant 16896 : i32
        %add3A_327 = arith.addi %add3A_326, %mul3A_325 : i32
        %dma_wait3A_328 = tpu.memref_slice %arg15[%add3A_327] : memref<22528xf32, #tpu.memory_space<vmem>> -> memref<128xf32, #tpu.memory_space<vmem>>
        %dma_wait3A_329 = arith.constant 0 : i32
        %dma_wait3A_330 = tpu.memref_slice %arg9[%dma_wait3A_329] : memref<1007616xf32, #tpu.memory_space<hbm>> -> memref<128xf32, #tpu.memory_space<hbm>>
        %dma_wait3A_331 = tpu.memref_slice %arg15[%add3A_327] : memref<22528xf32, #tpu.memory_space<vmem>> -> memref<128xf32, #tpu.memory_space<vmem>>
        %dma_wait3A_332 = arith.constant 0 : i32
        %dma_wait3A_333 = tpu.memref_slice %arg9[%dma_wait3A_332] : memref<1007616xf32, #tpu.memory_space<hbm>> -> memref<128xf32, #tpu.memory_space<hbm>>
        tpu.wait_dma2 semaphore(%arg17 : memref<!tpu.dma_semaphore, #tpu.memory_space<semaphore_mem>>) src(%dma_wait3A_333 : memref<128xf32, #tpu.memory_space<hbm>>) dst(%dma_wait3A_331 : memref<128xf32, #tpu.memory_space<vmem>>)
        %mul3A_334 = arith.constant 128 : i32
        %mul3A_335 = arith.muli %sub3A_255, %mul3A_334 : i32
        %add3A_336 = arith.constant 19712 : i32
        %add3A_337 = arith.addi %add3A_336, %mul3A_335 : i32
        %dma_wait3A_338 = tpu.memref_slice %arg15[%add3A_337] : memref<22528xf32, #tpu.memory_space<vmem>> -> memref<128xf32, #tpu.memory_space<vmem>>
        %dma_wait3A_339 = arith.constant 0 : i32
        %dma_wait3A_340 = tpu.memref_slice %arg10[%dma_wait3A_339] : memref<1007616xf32, #tpu.memory_space<hbm>> -> memref<128xf32, #tpu.memory_space<hbm>>
        %dma_wait3A_341 = tpu.memref_slice %arg15[%add3A_337] : memref<22528xf32, #tpu.memory_space<vmem>> -> memref<128xf32, #tpu.memory_space<vmem>>
        %dma_wait3A_342 = arith.constant 0 : i32
        %dma_wait3A_343 = tpu.memref_slice %arg10[%dma_wait3A_342] : memref<1007616xf32, #tpu.memory_space<hbm>> -> memref<128xf32, #tpu.memory_space<hbm>>
        tpu.wait_dma2 semaphore(%arg17 : memref<!tpu.dma_semaphore, #tpu.memory_space<semaphore_mem>>) src(%dma_wait3A_343 : memref<128xf32, #tpu.memory_space<hbm>>) dst(%dma_wait3A_341 : memref<128xf32, #tpu.memory_space<vmem>>)
      } else {
      }
    }
    %scan3A_7 = arith.constant 22 : i32
    %dma_wait3A = arith.constant 2560 : i32
    %dma_wait3A_8 = tpu.memref_slice %arg18[%dma_wait3A] : memref<2816xf32, #tpu.memory_space<vmem>> -> memref<128xf32, #tpu.memory_space<vmem>>
    %dma_wait3A_9 = arith.constant 0 : i32
    %dma_wait3A_10 = tpu.memref_slice %arg11[%dma_wait3A_9] : memref<1000000xf32, #tpu.memory_space<hbm>> -> memref<128xf32, #tpu.memory_space<hbm>>
    %dma_wait3A_11 = arith.constant 2560 : i32
    %dma_wait3A_12 = tpu.memref_slice %arg18[%dma_wait3A_11] : memref<2816xf32, #tpu.memory_space<vmem>> -> memref<128xf32, #tpu.memory_space<vmem>>
    %dma_wait3A_13 = arith.constant 0 : i32
    %dma_wait3A_14 = tpu.memref_slice %arg11[%dma_wait3A_13] : memref<1000000xf32, #tpu.memory_space<hbm>> -> memref<128xf32, #tpu.memory_space<hbm>>
    tpu.wait_dma2 semaphore(%arg19 : memref<!tpu.dma_semaphore, #tpu.memory_space<semaphore_mem>>) src(%dma_wait3A_14 : memref<128xf32, #tpu.memory_space<hbm>>) dst(%dma_wait3A_12 : memref<128xf32, #tpu.memory_space<vmem>>)
    %dma_wait3A_15 = arith.constant 2560 : i32
    %dma_wait3A_16 = tpu.memref_slice %arg15[%dma_wait3A_15] : memref<22528xf32, #tpu.memory_space<vmem>> -> memref<128xf32, #tpu.memory_space<vmem>>
    %dma_wait3A_17 = arith.constant 0 : i32
    %dma_wait3A_18 = tpu.memref_slice %arg3[%dma_wait3A_17] : memref<1007616xf32, #tpu.memory_space<hbm>> -> memref<128xf32, #tpu.memory_space<hbm>>
    %dma_wait3A_19 = arith.constant 2560 : i32
    %dma_wait3A_20 = tpu.memref_slice %arg15[%dma_wait3A_19] : memref<22528xf32, #tpu.memory_space<vmem>> -> memref<128xf32, #tpu.memory_space<vmem>>
    %dma_wait3A_21 = arith.constant 0 : i32
    %dma_wait3A_22 = tpu.memref_slice %arg3[%dma_wait3A_21] : memref<1007616xf32, #tpu.memory_space<hbm>> -> memref<128xf32, #tpu.memory_space<hbm>>
    tpu.wait_dma2 semaphore(%arg17 : memref<!tpu.dma_semaphore, #tpu.memory_space<semaphore_mem>>) src(%dma_wait3A_22 : memref<128xf32, #tpu.memory_space<hbm>>) dst(%dma_wait3A_20 : memref<128xf32, #tpu.memory_space<vmem>>)
    %dma_wait3A_23 = arith.constant 5376 : i32
    %dma_wait3A_24 = tpu.memref_slice %arg15[%dma_wait3A_23] : memref<22528xf32, #tpu.memory_space<vmem>> -> memref<128xf32, #tpu.memory_space<vmem>>
    %dma_wait3A_25 = arith.constant 0 : i32
    %dma_wait3A_26 = tpu.memref_slice %arg4[%dma_wait3A_25] : memref<1007616xf32, #tpu.memory_space<hbm>> -> memref<128xf32, #tpu.memory_space<hbm>>
    %dma_wait3A_27 = arith.constant 5376 : i32
    %dma_wait3A_28 = tpu.memref_slice %arg15[%dma_wait3A_27] : memref<22528xf32, #tpu.memory_space<vmem>> -> memref<128xf32, #tpu.memory_space<vmem>>
    %dma_wait3A_29 = arith.constant 0 : i32
    %dma_wait3A_30 = tpu.memref_slice %arg4[%dma_wait3A_29] : memref<1007616xf32, #tpu.memory_space<hbm>> -> memref<128xf32, #tpu.memory_space<hbm>>
    tpu.wait_dma2 semaphore(%arg17 : memref<!tpu.dma_semaphore, #tpu.memory_space<semaphore_mem>>) src(%dma_wait3A_30 : memref<128xf32, #tpu.memory_space<hbm>>) dst(%dma_wait3A_28 : memref<128xf32, #tpu.memory_space<vmem>>)
    %dma_wait3A_31 = arith.constant 8192 : i32
    %dma_wait3A_32 = tpu.memref_slice %arg15[%dma_wait3A_31] : memref<22528xf32, #tpu.memory_space<vmem>> -> memref<128xf32, #tpu.memory_space<vmem>>
    %dma_wait3A_33 = arith.constant 0 : i32
    %dma_wait3A_34 = tpu.memref_slice %arg5[%dma_wait3A_33] : memref<1007616xf32, #tpu.memory_space<hbm>> -> memref<128xf32, #tpu.memory_space<hbm>>
    %dma_wait3A_35 = arith.constant 8192 : i32
    %dma_wait3A_36 = tpu.memref_slice %arg15[%dma_wait3A_35] : memref<22528xf32, #tpu.memory_space<vmem>> -> memref<128xf32, #tpu.memory_space<vmem>>
    %dma_wait3A_37 = arith.constant 0 : i32
    %dma_wait3A_38 = tpu.memref_slice %arg5[%dma_wait3A_37] : memref<1007616xf32, #tpu.memory_space<hbm>> -> memref<128xf32, #tpu.memory_space<hbm>>
    tpu.wait_dma2 semaphore(%arg17 : memref<!tpu.dma_semaphore, #tpu.memory_space<semaphore_mem>>) src(%dma_wait3A_38 : memref<128xf32, #tpu.memory_space<hbm>>) dst(%dma_wait3A_36 : memref<128xf32, #tpu.memory_space<vmem>>)
    %dma_wait3A_39 = arith.constant 11008 : i32
    %dma_wait3A_40 = tpu.memref_slice %arg15[%dma_wait3A_39] : memref<22528xf32, #tpu.memory_space<vmem>> -> memref<128xf32, #tpu.memory_space<vmem>>
    %dma_wait3A_41 = arith.constant 0 : i32
    %dma_wait3A_42 = tpu.memref_slice %arg6[%dma_wait3A_41] : memref<1007616xf32, #tpu.memory_space<hbm>> -> memref<128xf32, #tpu.memory_space<hbm>>
    %dma_wait3A_43 = arith.constant 11008 : i32
    %dma_wait3A_44 = tpu.memref_slice %arg15[%dma_wait3A_43] : memref<22528xf32, #tpu.memory_space<vmem>> -> memref<128xf32, #tpu.memory_space<vmem>>
    %dma_wait3A_45 = arith.constant 0 : i32
    %dma_wait3A_46 = tpu.memref_slice %arg6[%dma_wait3A_45] : memref<1007616xf32, #tpu.memory_space<hbm>> -> memref<128xf32, #tpu.memory_space<hbm>>
    tpu.wait_dma2 semaphore(%arg17 : memref<!tpu.dma_semaphore, #tpu.memory_space<semaphore_mem>>) src(%dma_wait3A_46 : memref<128xf32, #tpu.memory_space<hbm>>) dst(%dma_wait3A_44 : memref<128xf32, #tpu.memory_space<vmem>>)
    %dma_wait3A_47 = arith.constant 13824 : i32
    %dma_wait3A_48 = tpu.memref_slice %arg15[%dma_wait3A_47] : memref<22528xf32, #tpu.memory_space<vmem>> -> memref<128xf32, #tpu.memory_space<vmem>>
    %dma_wait3A_49 = arith.constant 0 : i32
    %dma_wait3A_50 = tpu.memref_slice %arg7[%dma_wait3A_49] : memref<1007616xf32, #tpu.memory_space<hbm>> -> memref<128xf32, #tpu.memory_space<hbm>>
    %dma_wait3A_51 = arith.constant 13824 : i32
    %dma_wait3A_52 = tpu.memref_slice %arg15[%dma_wait3A_51] : memref<22528xf32, #tpu.memory_space<vmem>> -> memref<128xf32, #tpu.memory_space<vmem>>
    %dma_wait3A_53 = arith.constant 0 : i32
    %dma_wait3A_54 = tpu.memref_slice %arg7[%dma_wait3A_53] : memref<1007616xf32, #tpu.memory_space<hbm>> -> memref<128xf32, #tpu.memory_space<hbm>>
    tpu.wait_dma2 semaphore(%arg17 : memref<!tpu.dma_semaphore, #tpu.memory_space<semaphore_mem>>) src(%dma_wait3A_54 : memref<128xf32, #tpu.memory_space<hbm>>) dst(%dma_wait3A_52 : memref<128xf32, #tpu.memory_space<vmem>>)
    %dma_wait3A_55 = arith.constant 16640 : i32
    %dma_wait3A_56 = tpu.memref_slice %arg15[%dma_wait3A_55] : memref<22528xf32, #tpu.memory_space<vmem>> -> memref<128xf32, #tpu.memory_space<vmem>>
    %dma_wait3A_57 = arith.constant 0 : i32
    %dma_wait3A_58 = tpu.memref_slice %arg8[%dma_wait3A_57] : memref<1007616xf32, #tpu.memory_space<hbm>> -> memref<128xf32, #tpu.memory_space<hbm>>
    %dma_wait3A_59 = arith.constant 16640 : i32
    %dma_wait3A_60 = tpu.memref_slice %arg15[%dma_wait3A_59] : memref<22528xf32, #tpu.memory_space<vmem>> -> memref<128xf32, #tpu.memory_space<vmem>>
    %dma_wait3A_61 = arith.constant 0 : i32
    %dma_wait3A_62 = tpu.memref_slice %arg8[%dma_wait3A_61] : memref<1007616xf32, #tpu.memory_space<hbm>> -> memref<128xf32, #tpu.memory_space<hbm>>
    tpu.wait_dma2 semaphore(%arg17 : memref<!tpu.dma_semaphore, #tpu.memory_space<semaphore_mem>>) src(%dma_wait3A_62 : memref<128xf32, #tpu.memory_space<hbm>>) dst(%dma_wait3A_60 : memref<128xf32, #tpu.memory_space<vmem>>)
    %dma_wait3A_63 = arith.constant 19456 : i32
    %dma_wait3A_64 = tpu.memref_slice %arg15[%dma_wait3A_63] : memref<22528xf32, #tpu.memory_space<vmem>> -> memref<128xf32, #tpu.memory_space<vmem>>
    %dma_wait3A_65 = arith.constant 0 : i32
    %dma_wait3A_66 = tpu.memref_slice %arg9[%dma_wait3A_65] : memref<1007616xf32, #tpu.memory_space<hbm>> -> memref<128xf32, #tpu.memory_space<hbm>>
    %dma_wait3A_67 = arith.constant 19456 : i32
    %dma_wait3A_68 = tpu.memref_slice %arg15[%dma_wait3A_67] : memref<22528xf32, #tpu.memory_space<vmem>> -> memref<128xf32, #tpu.memory_space<vmem>>
    %dma_wait3A_69 = arith.constant 0 : i32
    %dma_wait3A_70 = tpu.memref_slice %arg9[%dma_wait3A_69] : memref<1007616xf32, #tpu.memory_space<hbm>> -> memref<128xf32, #tpu.memory_space<hbm>>
    tpu.wait_dma2 semaphore(%arg17 : memref<!tpu.dma_semaphore, #tpu.memory_space<semaphore_mem>>) src(%dma_wait3A_70 : memref<128xf32, #tpu.memory_space<hbm>>) dst(%dma_wait3A_68 : memref<128xf32, #tpu.memory_space<vmem>>)
    %dma_wait3A_71 = arith.constant 22272 : i32
    %dma_wait3A_72 = tpu.memref_slice %arg15[%dma_wait3A_71] : memref<22528xf32, #tpu.memory_space<vmem>> -> memref<128xf32, #tpu.memory_space<vmem>>
    %dma_wait3A_73 = arith.constant 0 : i32
    %dma_wait3A_74 = tpu.memref_slice %arg10[%dma_wait3A_73] : memref<1007616xf32, #tpu.memory_space<hbm>> -> memref<128xf32, #tpu.memory_space<hbm>>
    %dma_wait3A_75 = arith.constant 22272 : i32
    %dma_wait3A_76 = tpu.memref_slice %arg15[%dma_wait3A_75] : memref<22528xf32, #tpu.memory_space<vmem>> -> memref<128xf32, #tpu.memory_space<vmem>>
    %dma_wait3A_77 = arith.constant 0 : i32
    %dma_wait3A_78 = tpu.memref_slice %arg10[%dma_wait3A_77] : memref<1007616xf32, #tpu.memory_space<hbm>> -> memref<128xf32, #tpu.memory_space<hbm>>
    tpu.wait_dma2 semaphore(%arg17 : memref<!tpu.dma_semaphore, #tpu.memory_space<semaphore_mem>>) src(%dma_wait3A_78 : memref<128xf32, #tpu.memory_space<hbm>>) dst(%dma_wait3A_76 : memref<128xf32, #tpu.memory_space<vmem>>)
    %dma_wait3A_79 = arith.constant 2688 : i32
    %dma_wait3A_80 = tpu.memref_slice %arg18[%dma_wait3A_79] : memref<2816xf32, #tpu.memory_space<vmem>> -> memref<128xf32, #tpu.memory_space<vmem>>
    %dma_wait3A_81 = arith.constant 0 : i32
    %dma_wait3A_82 = tpu.memref_slice %arg11[%dma_wait3A_81] : memref<1000000xf32, #tpu.memory_space<hbm>> -> memref<128xf32, #tpu.memory_space<hbm>>
    %dma_wait3A_83 = arith.constant 2688 : i32
    %dma_wait3A_84 = tpu.memref_slice %arg18[%dma_wait3A_83] : memref<2816xf32, #tpu.memory_space<vmem>> -> memref<128xf32, #tpu.memory_space<vmem>>
    %dma_wait3A_85 = arith.constant 0 : i32
    %dma_wait3A_86 = tpu.memref_slice %arg11[%dma_wait3A_85] : memref<1000000xf32, #tpu.memory_space<hbm>> -> memref<128xf32, #tpu.memory_space<hbm>>
    tpu.wait_dma2 semaphore(%arg19 : memref<!tpu.dma_semaphore, #tpu.memory_space<semaphore_mem>>) src(%dma_wait3A_86 : memref<128xf32, #tpu.memory_space<hbm>>) dst(%dma_wait3A_84 : memref<128xf32, #tpu.memory_space<vmem>>)
    %dma_wait3A_87 = arith.constant 2688 : i32
    %dma_wait3A_88 = tpu.memref_slice %arg15[%dma_wait3A_87] : memref<22528xf32, #tpu.memory_space<vmem>> -> memref<128xf32, #tpu.memory_space<vmem>>
    %dma_wait3A_89 = arith.constant 0 : i32
    %dma_wait3A_90 = tpu.memref_slice %arg3[%dma_wait3A_89] : memref<1007616xf32, #tpu.memory_space<hbm>> -> memref<128xf32, #tpu.memory_space<hbm>>
    %dma_wait3A_91 = arith.constant 2688 : i32
    %dma_wait3A_92 = tpu.memref_slice %arg15[%dma_wait3A_91] : memref<22528xf32, #tpu.memory_space<vmem>> -> memref<128xf32, #tpu.memory_space<vmem>>
    %dma_wait3A_93 = arith.constant 0 : i32
    %dma_wait3A_94 = tpu.memref_slice %arg3[%dma_wait3A_93] : memref<1007616xf32, #tpu.memory_space<hbm>> -> memref<128xf32, #tpu.memory_space<hbm>>
    tpu.wait_dma2 semaphore(%arg17 : memref<!tpu.dma_semaphore, #tpu.memory_space<semaphore_mem>>) src(%dma_wait3A_94 : memref<128xf32, #tpu.memory_space<hbm>>) dst(%dma_wait3A_92 : memref<128xf32, #tpu.memory_space<vmem>>)
    %dma_wait3A_95 = arith.constant 5504 : i32
    %dma_wait3A_96 = tpu.memref_slice %arg15[%dma_wait3A_95] : memref<22528xf32, #tpu.memory_space<vmem>> -> memref<128xf32, #tpu.memory_space<vmem>>
    %dma_wait3A_97 = arith.constant 0 : i32
    %dma_wait3A_98 = tpu.memref_slice %arg4[%dma_wait3A_97] : memref<1007616xf32, #tpu.memory_space<hbm>> -> memref<128xf32, #tpu.memory_space<hbm>>
    %dma_wait3A_99 = arith.constant 5504 : i32
    %dma_wait3A_100 = tpu.memref_slice %arg15[%dma_wait3A_99] : memref<22528xf32, #tpu.memory_space<vmem>> -> memref<128xf32, #tpu.memory_space<vmem>>
    %dma_wait3A_101 = arith.constant 0 : i32
    %dma_wait3A_102 = tpu.memref_slice %arg4[%dma_wait3A_101] : memref<1007616xf32, #tpu.memory_space<hbm>> -> memref<128xf32, #tpu.memory_space<hbm>>
    tpu.wait_dma2 semaphore(%arg17 : memref<!tpu.dma_semaphore, #tpu.memory_space<semaphore_mem>>) src(%dma_wait3A_102 : memref<128xf32, #tpu.memory_space<hbm>>) dst(%dma_wait3A_100 : memref<128xf32, #tpu.memory_space<vmem>>)
    %dma_wait3A_103 = arith.constant 8320 : i32
    %dma_wait3A_104 = tpu.memref_slice %arg15[%dma_wait3A_103] : memref<22528xf32, #tpu.memory_space<vmem>> -> memref<128xf32, #tpu.memory_space<vmem>>
    %dma_wait3A_105 = arith.constant 0 : i32
    %dma_wait3A_106 = tpu.memref_slice %arg5[%dma_wait3A_105] : memref<1007616xf32, #tpu.memory_space<hbm>> -> memref<128xf32, #tpu.memory_space<hbm>>
    %dma_wait3A_107 = arith.constant 8320 : i32
    %dma_wait3A_108 = tpu.memref_slice %arg15[%dma_wait3A_107] : memref<22528xf32, #tpu.memory_space<vmem>> -> memref<128xf32, #tpu.memory_space<vmem>>
    %dma_wait3A_109 = arith.constant 0 : i32
    %dma_wait3A_110 = tpu.memref_slice %arg5[%dma_wait3A_109] : memref<1007616xf32, #tpu.memory_space<hbm>> -> memref<128xf32, #tpu.memory_space<hbm>>
    tpu.wait_dma2 semaphore(%arg17 : memref<!tpu.dma_semaphore, #tpu.memory_space<semaphore_mem>>) src(%dma_wait3A_110 : memref<128xf32, #tpu.memory_space<hbm>>) dst(%dma_wait3A_108 : memref<128xf32, #tpu.memory_space<vmem>>)
    %dma_wait3A_111 = arith.constant 11136 : i32
    %dma_wait3A_112 = tpu.memref_slice %arg15[%dma_wait3A_111] : memref<22528xf32, #tpu.memory_space<vmem>> -> memref<128xf32, #tpu.memory_space<vmem>>
    %dma_wait3A_113 = arith.constant 0 : i32
    %dma_wait3A_114 = tpu.memref_slice %arg6[%dma_wait3A_113] : memref<1007616xf32, #tpu.memory_space<hbm>> -> memref<128xf32, #tpu.memory_space<hbm>>
    %dma_wait3A_115 = arith.constant 11136 : i32
    %dma_wait3A_116 = tpu.memref_slice %arg15[%dma_wait3A_115] : memref<22528xf32, #tpu.memory_space<vmem>> -> memref<128xf32, #tpu.memory_space<vmem>>
    %dma_wait3A_117 = arith.constant 0 : i32
    %dma_wait3A_118 = tpu.memref_slice %arg6[%dma_wait3A_117] : memref<1007616xf32, #tpu.memory_space<hbm>> -> memref<128xf32, #tpu.memory_space<hbm>>
    tpu.wait_dma2 semaphore(%arg17 : memref<!tpu.dma_semaphore, #tpu.memory_space<semaphore_mem>>) src(%dma_wait3A_118 : memref<128xf32, #tpu.memory_space<hbm>>) dst(%dma_wait3A_116 : memref<128xf32, #tpu.memory_space<vmem>>)
    %dma_wait3A_119 = arith.constant 13952 : i32
    %dma_wait3A_120 = tpu.memref_slice %arg15[%dma_wait3A_119] : memref<22528xf32, #tpu.memory_space<vmem>> -> memref<128xf32, #tpu.memory_space<vmem>>
    %dma_wait3A_121 = arith.constant 0 : i32
    %dma_wait3A_122 = tpu.memref_slice %arg7[%dma_wait3A_121] : memref<1007616xf32, #tpu.memory_space<hbm>> -> memref<128xf32, #tpu.memory_space<hbm>>
    %dma_wait3A_123 = arith.constant 13952 : i32
    %dma_wait3A_124 = tpu.memref_slice %arg15[%dma_wait3A_123] : memref<22528xf32, #tpu.memory_space<vmem>> -> memref<128xf32, #tpu.memory_space<vmem>>
    %dma_wait3A_125 = arith.constant 0 : i32
    %dma_wait3A_126 = tpu.memref_slice %arg7[%dma_wait3A_125] : memref<1007616xf32, #tpu.memory_space<hbm>> -> memref<128xf32, #tpu.memory_space<hbm>>
    tpu.wait_dma2 semaphore(%arg17 : memref<!tpu.dma_semaphore, #tpu.memory_space<semaphore_mem>>) src(%dma_wait3A_126 : memref<128xf32, #tpu.memory_space<hbm>>) dst(%dma_wait3A_124 : memref<128xf32, #tpu.memory_space<vmem>>)
    %dma_wait3A_127 = arith.constant 16768 : i32
    %dma_wait3A_128 = tpu.memref_slice %arg15[%dma_wait3A_127] : memref<22528xf32, #tpu.memory_space<vmem>> -> memref<128xf32, #tpu.memory_space<vmem>>
    %dma_wait3A_129 = arith.constant 0 : i32
    %dma_wait3A_130 = tpu.memref_slice %arg8[%dma_wait3A_129] : memref<1007616xf32, #tpu.memory_space<hbm>> -> memref<128xf32, #tpu.memory_space<hbm>>
    %dma_wait3A_131 = arith.constant 16768 : i32
    %dma_wait3A_132 = tpu.memref_slice %arg15[%dma_wait3A_131] : memref<22528xf32, #tpu.memory_space<vmem>> -> memref<128xf32, #tpu.memory_space<vmem>>
    %dma_wait3A_133 = arith.constant 0 : i32
    %dma_wait3A_134 = tpu.memref_slice %arg8[%dma_wait3A_133] : memref<1007616xf32, #tpu.memory_space<hbm>> -> memref<128xf32, #tpu.memory_space<hbm>>
    tpu.wait_dma2 semaphore(%arg17 : memref<!tpu.dma_semaphore, #tpu.memory_space<semaphore_mem>>) src(%dma_wait3A_134 : memref<128xf32, #tpu.memory_space<hbm>>) dst(%dma_wait3A_132 : memref<128xf32, #tpu.memory_space<vmem>>)
    %dma_wait3A_135 = arith.constant 19584 : i32
    %dma_wait3A_136 = tpu.memref_slice %arg15[%dma_wait3A_135] : memref<22528xf32, #tpu.memory_space<vmem>> -> memref<128xf32, #tpu.memory_space<vmem>>
    %dma_wait3A_137 = arith.constant 0 : i32
    %dma_wait3A_138 = tpu.memref_slice %arg9[%dma_wait3A_137] : memref<1007616xf32, #tpu.memory_space<hbm>> -> memref<128xf32, #tpu.memory_space<hbm>>
    %dma_wait3A_139 = arith.constant 19584 : i32
    %dma_wait3A_140 = tpu.memref_slice %arg15[%dma_wait3A_139] : memref<22528xf32, #tpu.memory_space<vmem>> -> memref<128xf32, #tpu.memory_space<vmem>>
    %dma_wait3A_141 = arith.constant 0 : i32
    %dma_wait3A_142 = tpu.memref_slice %arg9[%dma_wait3A_141] : memref<1007616xf32, #tpu.memory_space<hbm>> -> memref<128xf32, #tpu.memory_space<hbm>>
    tpu.wait_dma2 semaphore(%arg17 : memref<!tpu.dma_semaphore, #tpu.memory_space<semaphore_mem>>) src(%dma_wait3A_142 : memref<128xf32, #tpu.memory_space<hbm>>) dst(%dma_wait3A_140 : memref<128xf32, #tpu.memory_space<vmem>>)
    %dma_wait3A_143 = arith.constant 22400 : i32
    %dma_wait3A_144 = tpu.memref_slice %arg15[%dma_wait3A_143] : memref<22528xf32, #tpu.memory_space<vmem>> -> memref<128xf32, #tpu.memory_space<vmem>>
    %dma_wait3A_145 = arith.constant 0 : i32
    %dma_wait3A_146 = tpu.memref_slice %arg10[%dma_wait3A_145] : memref<1007616xf32, #tpu.memory_space<hbm>> -> memref<128xf32, #tpu.memory_space<hbm>>
    %dma_wait3A_147 = arith.constant 22400 : i32
    %dma_wait3A_148 = tpu.memref_slice %arg15[%dma_wait3A_147] : memref<22528xf32, #tpu.memory_space<vmem>> -> memref<128xf32, #tpu.memory_space<vmem>>
    %dma_wait3A_149 = arith.constant 0 : i32
    %dma_wait3A_150 = tpu.memref_slice %arg10[%dma_wait3A_149] : memref<1007616xf32, #tpu.memory_space<hbm>> -> memref<128xf32, #tpu.memory_space<hbm>>
    tpu.wait_dma2 semaphore(%arg17 : memref<!tpu.dma_semaphore, #tpu.memory_space<semaphore_mem>>) src(%dma_wait3A_150 : memref<128xf32, #tpu.memory_space<hbm>>) dst(%dma_wait3A_148 : memref<128xf32, #tpu.memory_space<vmem>>)
    %iota3A = tpu.iota {dimensions = array<i32: 0>} : vector<16xi32>
    %jit3A = arith.constant 8 : i32
    %eq3A = arith.constant 0 : i32
    %eq3A_151 = arith.cmpi eq, %jit3A, %eq3A : i32
    %jit3A_152 = arith.constant 1 : i32
    %select_n3A = arith.select %eq3A_151, %jit3A_152, %jit3A : i32
    %rem3A = vector.broadcast %select_n3A : i32 to vector<16xi32>
    %rem3A_153 = arith.remsi %iota3A, %rem3A : vector<16xi32>
    %ne3A = arith.constant 0 : i32
    %ne3A_154 = vector.broadcast %ne3A : i32 to vector<16xi32>
    %ne3A_155 = arith.cmpi ne, %rem3A_153, %ne3A_154 : vector<16xi32>
    %lt3A = arith.constant 0 : i32
    %lt3A_156 = vector.broadcast %lt3A : i32 to vector<16xi32>
    %lt3A_157 = arith.cmpi slt, %rem3A_153, %lt3A_156 : vector<16xi32>
    %lt3A_158 = arith.constant 0 : i32
    %lt3A_159 = arith.cmpi slt, %select_n3A, %lt3A_158 : i32
    %ne3A_160 = vector.broadcast %lt3A_159 : i1 to vector<16xi1>
    %ne3A_161 = vector.broadcast %ne3A_160 : vector<16xi1> to vector<16xi1>
    %ne3A_162 = arith.xori %lt3A_157, %ne3A_161 : vector<16xi1>
    %and3A = arith.andi %ne3A_162, %ne3A_155 : vector<16xi1>
    %add3A_163 = vector.broadcast %select_n3A : i32 to vector<16xi32>
    %add3A_164 = arith.addi %rem3A_153, %add3A_163 : vector<16xi32>
    %select_n3A_165 = arith.select %and3A, %add3A_164, %rem3A_153 : vector<16xi1>, vector<16xi32>
    %ge3A = arith.constant 8 : i32
    %ge3A_166 = vector.broadcast %ge3A : i32 to vector<16xi32>
    %ge3A_167 = arith.cmpi sge, %iota3A, %ge3A_166 : vector<16xi32>
    %convert_element_type3A = arith.extui %ge3A_167 : vector<16xi1> to vector<16xi32>
    %mul3A_168 = arith.constant 2816 : i32
    %mul3A_169 = vector.broadcast %mul3A_168 : i32 to vector<16xi32>
    %mul3A_170 = arith.muli %select_n3A_165, %mul3A_169 : vector<16xi32>
    %broadcast_in_dim3A = arith.constant 0 : i32
    %broadcast_in_dim3A_171 = vector.broadcast %broadcast_in_dim3A : i32 to vector<16xi32>
    %scan3A_172 = arith.constant 0 : i32
    %scan3A_173 = arith.constant 1408 : i32
    %scan3A_174 = arith.addi %scan3A_172, %scan3A_173 : i32
    %scan3A_175 = arith.constant 4 : i32
    %scan3A_176 = scf.for %scan3A_180 = %scan3A_172 to %scan3A_174 step %scan3A_175 iter_args(%scan3A_181 = %broadcast_in_dim3A_171) -> (vector<16xi32>)  : i32 {
      %add3A_182 = arith.addi %scan3A_181, %convert_element_type3A : vector<16xi32>
      %add3A_183 = arith.addi %mul3A_170, %add3A_182 : vector<16xi32>
      %gather3A = tpu.vector_load_idx %arg15[%add3A_183] : memref<22528xf32, #tpu.memory_space<vmem>>[vector<16xi32>], vector<16xf32>,
      %mul3A_184 = arith.constant 8 : i32
      %mul3A_185 = vector.broadcast %mul3A_184 : i32 to vector<16xi32>
      %mul3A_186 = arith.muli %add3A_182, %mul3A_185 : vector<16xi32>
      %add3A_187 = arith.addi %mul3A_186, %select_n3A_165 : vector<16xi32>
      tpu.vector_store_idx %arg16[%add3A_187], %gather3A : memref<22528xf32, #tpu.memory_space<vmem>>[vector<16xi32>], vector<16xf32>,
      %add3A_188 = arith.constant 2 : i32
      %add3A_189 = vector.broadcast %add3A_188 : i32 to vector<16xi32>
      %add3A_190 = arith.addi %scan3A_181, %add3A_189 : vector<16xi32>
      %scan3A_191 = arith.constant 1 : i32
      %scan3A_192 = arith.addi %scan3A_180, %scan3A_191 : i32
      %add3A_193 = arith.addi %add3A_190, %convert_element_type3A : vector<16xi32>
      %add3A_194 = arith.addi %mul3A_170, %add3A_193 : vector<16xi32>
      %gather3A_195 = tpu.vector_load_idx %arg15[%add3A_194] : memref<22528xf32, #tpu.memory_space<vmem>>[vector<16xi32>], vector<16xf32>,
      %mul3A_196 = arith.constant 8 : i32
      %mul3A_197 = vector.broadcast %mul3A_196 : i32 to vector<16xi32>
      %mul3A_198 = arith.muli %add3A_193, %mul3A_197 : vector<16xi32>
      %add3A_199 = arith.addi %mul3A_198, %select_n3A_165 : vector<16xi32>
      tpu.vector_store_idx %arg16[%add3A_199], %gather3A_195 : memref<22528xf32, #tpu.memory_space<vmem>>[vector<16xi32>], vector<16xf32>,
      %add3A_200 = arith.constant 2 : i32
      %add3A_201 = vector.broadcast %add3A_200 : i32 to vector<16xi32>
      %add3A_202 = arith.addi %add3A_190, %add3A_201 : vector<16xi32>
      %scan3A_203 = arith.constant 2 : i32
      %scan3A_204 = arith.addi %scan3A_180, %scan3A_203 : i32
      %add3A_205 = arith.addi %add3A_202, %convert_element_type3A : vector<16xi32>
      %add3A_206 = arith.addi %mul3A_170, %add3A_205 : vector<16xi32>
      %gather3A_207 = tpu.vector_load_idx %arg15[%add3A_206] : memref<22528xf32, #tpu.memory_space<vmem>>[vector<16xi32>], vector<16xf32>,
      %mul3A_208 = arith.constant 8 : i32
      %mul3A_209 = vector.broadcast %mul3A_208 : i32 to vector<16xi32>
      %mul3A_210 = arith.muli %add3A_205, %mul3A_209 : vector<16xi32>
      %add3A_211 = arith.addi %mul3A_210, %select_n3A_165 : vector<16xi32>
      tpu.vector_store_idx %arg16[%add3A_211], %gather3A_207 : memref<22528xf32, #tpu.memory_space<vmem>>[vector<16xi32>], vector<16xf32>,
      %add3A_212 = arith.constant 2 : i32
      %add3A_213 = vector.broadcast %add3A_212 : i32 to vector<16xi32>
      %add3A_214 = arith.addi %add3A_202, %add3A_213 : vector<16xi32>
      %scan3A_215 = arith.constant 3 : i32
      %scan3A_216 = arith.addi %scan3A_180, %scan3A_215 : i32
      %add3A_217 = arith.addi %add3A_214, %convert_element_type3A : vector<16xi32>
      %add3A_218 = arith.addi %mul3A_170, %add3A_217 : vector<16xi32>
      %gather3A_219 = tpu.vector_load_idx %arg15[%add3A_218] : memref<22528xf32, #tpu.memory_space<vmem>>[vector<16xi32>], vector<16xf32>,
      %mul3A_220 = arith.constant 8 : i32
      %mul3A_221 = vector.broadcast %mul3A_220 : i32 to vector<16xi32>
      %mul3A_222 = arith.muli %add3A_217, %mul3A_221 : vector<16xi32>
      %add3A_223 = arith.addi %mul3A_222, %select_n3A_165 : vector<16xi32>
      tpu.vector_store_idx %arg16[%add3A_223], %gather3A_219 : memref<22528xf32, #tpu.memory_space<vmem>>[vector<16xi32>], vector<16xf32>,
      %add3A_224 = arith.constant 2 : i32
      %add3A_225 = vector.broadcast %add3A_224 : i32 to vector<16xi32>
      %add3A_226 = arith.addi %add3A_214, %add3A_225 : vector<16xi32>
      scf.yield %add3A_226 : vector<16xi32>
    }
    %scan3A_177 = arith.constant 1408 : i32
    %mul3A_178 = arith.constant 8 : i32
    %mul3A_179 = arith.muli %mul3A_2, %mul3A_178 : i32
    "tpu.region"() ({
      %run_scoped3A = tpu.sem_alloc : memref<!tpu.dma_semaphore, #tpu.memory_space<semaphore_mem>>
      %dma_start3A = tpu.memref_slice %arg12[%mul3A_179] : memref<720896xf32, #tpu.memory_space<hbm>> -> memref<22528xf32, #tpu.memory_space<hbm>>
      %dma_start3A_180 = tpu.memref_slice %arg12[%mul3A_179] : memref<720896xf32, #tpu.memory_space<hbm>> -> memref<22528xf32, #tpu.memory_space<hbm>>
      tpu.enqueue_dma source(%arg16 : memref<22528xf32, #tpu.memory_space<vmem>>) target(%dma_start3A_180 : memref<22528xf32, #tpu.memory_space<hbm>>) target_semaphore(%run_scoped3A : memref<!tpu.dma_semaphore, #tpu.memory_space<semaphore_mem>>)
      %dma_wait3A_181 = tpu.memref_slice %arg12[%mul3A_179] : memref<720896xf32, #tpu.memory_space<hbm>> -> memref<22528xf32, #tpu.memory_space<hbm>>
      %dma_wait3A_182 = tpu.memref_slice %arg12[%mul3A_179] : memref<720896xf32, #tpu.memory_space<hbm>> -> memref<22528xf32, #tpu.memory_space<hbm>>
      tpu.wait_dma2 semaphore(%run_scoped3A : memref<!tpu.dma_semaphore, #tpu.memory_space<semaphore_mem>>) src(%arg16 : memref<22528xf32, #tpu.memory_space<vmem>>) dst(%dma_wait3A_182 : memref<22528xf32, #tpu.memory_space<hbm>>)
      tpu.yield
    }) : () -> ()
    "tpu.region"() ({
      %run_scoped3A = tpu.sem_alloc : memref<!tpu.dma_semaphore, #tpu.memory_space<semaphore_mem>>
      %dma_start3A = tpu.memref_slice %arg13[%mul3A_2] : memref<90112xf32, #tpu.memory_space<hbm>> -> memref<2816xf32, #tpu.memory_space<hbm>>
      %dma_start3A_180 = tpu.memref_slice %arg13[%mul3A_2] : memref<90112xf32, #tpu.memory_space<hbm>> -> memref<2816xf32, #tpu.memory_space<hbm>>
      tpu.enqueue_dma source(%arg18 : memref<2816xf32, #tpu.memory_space<vmem>>) target(%dma_start3A_180 : memref<2816xf32, #tpu.memory_space<hbm>>) target_semaphore(%run_scoped3A : memref<!tpu.dma_semaphore, #tpu.memory_space<semaphore_mem>>)
      %dma_wait3A_181 = tpu.memref_slice %arg13[%mul3A_2] : memref<90112xf32, #tpu.memory_space<hbm>> -> memref<2816xf32, #tpu.memory_space<hbm>>
      %dma_wait3A_182 = tpu.memref_slice %arg13[%mul3A_2] : memref<90112xf32, #tpu.memory_space<hbm>> -> memref<2816xf32, #tpu.memory_space<hbm>>
      tpu.wait_dma2 semaphore(%run_scoped3A : memref<!tpu.dma_semaphore, #tpu.memory_space<semaphore_mem>>) src(%arg18 : memref<2816xf32, #tpu.memory_space<vmem>>) dst(%dma_wait3A_182 : memref<2816xf32, #tpu.memory_space<hbm>>)
      tpu.yield
    }) : () -> ()
    return
  }
}

module attributes {stable_mosaic.version = 14 : i64} {
  func.func @_detile_body(%arg0: i32, %arg1: memref<8x125952xf32, #tpu.memory_space<vmem>>, %arg2: memref<125952xf32, #tpu.memory_space<vmem>>, %arg3: memref<125952xf32, #tpu.memory_space<vmem>>, %arg4: memref<125952xf32, #tpu.memory_space<vmem>>, %arg5: memref<125952xf32, #tpu.memory_space<vmem>>, %arg6: memref<125952xf32, #tpu.memory_space<vmem>>, %arg7: memref<125952xf32, #tpu.memory_space<vmem>>, %arg8: memref<125952xf32, #tpu.memory_space<vmem>>, %arg9: memref<125952xf32, #tpu.memory_space<vmem>>) attributes {dimension_semantics = [#tpu.dimension_semantics<arbitrary>], iteration_bounds = array<i64: 8>, scalar_prefetch = 0 : i64, scratch_operands = 0 : i64, tpu.core_type = #tpu.core_type<tc>, window_params = [{transform_indices = @transform_0, window_bounds = array<i64: 8, 125952>}, {transform_indices = @transform_1, window_bounds = array<i64: 125952>}, {transform_indices = @transform_2, window_bounds = array<i64: 125952>}, {transform_indices = @transform_3, window_bounds = array<i64: 125952>}, {transform_indices = @transform_4, window_bounds = array<i64: 125952>}, {transform_indices = @transform_5, window_bounds = array<i64: 125952>}, {transform_indices = @transform_6, window_bounds = array<i64: 125952>}, {transform_indices = @transform_7, window_bounds = array<i64: 125952>}, {transform_indices = @transform_8, window_bounds = array<i64: 125952>}]} {
    %get3A = arith.constant 0 : index
    %get3A_0 = arith.constant 0 : index
    %get3A_1 = vector.load %arg1[%get3A, %get3A_0] : memref<8x125952xf32, #tpu.memory_space<vmem>>, vector<1x125952xf32>
    %get3A_2 = vector.shape_cast %get3A_1 : vector<1x125952xf32> to vector<125952xf32>
    %swap3A = arith.constant 0 : index
    %swap3A_3 = vector.load %arg2[%swap3A] : memref<125952xf32, #tpu.memory_space<vmem>>, vector<125952xf32>
    tpu.vector_store %arg2[%swap3A], %get3A_2 {strides = array<i32>} : memref<125952xf32, #tpu.memory_space<vmem>>, vector<125952xf32>,
    %get3A_4 = arith.constant 1 : index
    %get3A_5 = arith.constant 0 : index
    %get3A_6 = vector.load %arg1[%get3A_4, %get3A_5] : memref<8x125952xf32, #tpu.memory_space<vmem>>, vector<1x125952xf32>
    %get3A_7 = vector.shape_cast %get3A_6 : vector<1x125952xf32> to vector<125952xf32>
    %swap3A_8 = arith.constant 0 : index
    %swap3A_9 = vector.load %arg3[%swap3A_8] : memref<125952xf32, #tpu.memory_space<vmem>>, vector<125952xf32>
    tpu.vector_store %arg3[%swap3A_8], %get3A_7 {strides = array<i32>} : memref<125952xf32, #tpu.memory_space<vmem>>, vector<125952xf32>,
    %get3A_10 = arith.constant 2 : index
    %get3A_11 = arith.constant 0 : index
    %get3A_12 = vector.load %arg1[%get3A_10, %get3A_11] : memref<8x125952xf32, #tpu.memory_space<vmem>>, vector<1x125952xf32>
    %get3A_13 = vector.shape_cast %get3A_12 : vector<1x125952xf32> to vector<125952xf32>
    %swap3A_14 = arith.constant 0 : index
    %swap3A_15 = vector.load %arg4[%swap3A_14] : memref<125952xf32, #tpu.memory_space<vmem>>, vector<125952xf32>
    tpu.vector_store %arg4[%swap3A_14], %get3A_13 {strides = array<i32>} : memref<125952xf32, #tpu.memory_space<vmem>>, vector<125952xf32>,
    %get3A_16 = arith.constant 3 : index
    %get3A_17 = arith.constant 0 : index
    %get3A_18 = vector.load %arg1[%get3A_16, %get3A_17] : memref<8x125952xf32, #tpu.memory_space<vmem>>, vector<1x125952xf32>
    %get3A_19 = vector.shape_cast %get3A_18 : vector<1x125952xf32> to vector<125952xf32>
    %swap3A_20 = arith.constant 0 : index
    %swap3A_21 = vector.load %arg5[%swap3A_20] : memref<125952xf32, #tpu.memory_space<vmem>>, vector<125952xf32>
    tpu.vector_store %arg5[%swap3A_20], %get3A_19 {strides = array<i32>} : memref<125952xf32, #tpu.memory_space<vmem>>, vector<125952xf32>,
    %get3A_22 = arith.constant 4 : index
    %get3A_23 = arith.constant 0 : index
    %get3A_24 = vector.load %arg1[%get3A_22, %get3A_23] : memref<8x125952xf32, #tpu.memory_space<vmem>>, vector<1x125952xf32>
    %get3A_25 = vector.shape_cast %get3A_24 : vector<1x125952xf32> to vector<125952xf32>
    %swap3A_26 = arith.constant 0 : index
    %swap3A_27 = vector.load %arg6[%swap3A_26] : memref<125952xf32, #tpu.memory_space<vmem>>, vector<125952xf32>
    tpu.vector_store %arg6[%swap3A_26], %get3A_25 {strides = array<i32>} : memref<125952xf32, #tpu.memory_space<vmem>>, vector<125952xf32>,
    %get3A_28 = arith.constant 5 : index
    %get3A_29 = arith.constant 0 : index
    %get3A_30 = vector.load %arg1[%get3A_28, %get3A_29] : memref<8x125952xf32, #tpu.memory_space<vmem>>, vector<1x125952xf32>
    %get3A_31 = vector.shape_cast %get3A_30 : vector<1x125952xf32> to vector<125952xf32>
    %swap3A_32 = arith.constant 0 : index
    %swap3A_33 = vector.load %arg7[%swap3A_32] : memref<125952xf32, #tpu.memory_space<vmem>>, vector<125952xf32>
    tpu.vector_store %arg7[%swap3A_32], %get3A_31 {strides = array<i32>} : memref<125952xf32, #tpu.memory_space<vmem>>, vector<125952xf32>,
    %get3A_34 = arith.constant 6 : index
    %get3A_35 = arith.constant 0 : index
    %get3A_36 = vector.load %arg1[%get3A_34, %get3A_35] : memref<8x125952xf32, #tpu.memory_space<vmem>>, vector<1x125952xf32>
    %get3A_37 = vector.shape_cast %get3A_36 : vector<1x125952xf32> to vector<125952xf32>
    %swap3A_38 = arith.constant 0 : index
    %swap3A_39 = vector.load %arg8[%swap3A_38] : memref<125952xf32, #tpu.memory_space<vmem>>, vector<125952xf32>
    tpu.vector_store %arg8[%swap3A_38], %get3A_37 {strides = array<i32>} : memref<125952xf32, #tpu.memory_space<vmem>>, vector<125952xf32>,
    %get3A_40 = arith.constant 7 : index
    %get3A_41 = arith.constant 0 : index
    %get3A_42 = vector.load %arg1[%get3A_40, %get3A_41] : memref<8x125952xf32, #tpu.memory_space<vmem>>, vector<1x125952xf32>
    %get3A_43 = vector.shape_cast %get3A_42 : vector<1x125952xf32> to vector<125952xf32>
    %swap3A_44 = arith.constant 0 : index
    %swap3A_45 = vector.load %arg9[%swap3A_44] : memref<125952xf32, #tpu.memory_space<vmem>>, vector<125952xf32>
    tpu.vector_store %arg9[%swap3A_44], %get3A_43 {strides = array<i32>} : memref<125952xf32, #tpu.memory_space<vmem>>, vector<125952xf32>,
    return
  }
  func.func @transform_0(%arg0: i32) -> (i32, i32) {
    %c0_i32 = arith.constant 0 : i32
    %c0_i32_0 = arith.constant 0 : i32
    return %c0_i32, %arg0 : i32, i32
  }
  func.func @transform_1(%arg0: i32) -> i32 {
    %c0_i32 = arith.constant 0 : i32
    return %arg0 : i32
  }
  func.func @transform_2(%arg0: i32) -> i32 {
    %c0_i32 = arith.constant 0 : i32
    return %arg0 : i32
  }
  func.func @transform_3(%arg0: i32) -> i32 {
    %c0_i32 = arith.constant 0 : i32
    return %arg0 : i32
  }
  func.func @transform_4(%arg0: i32) -> i32 {
    %c0_i32 = arith.constant 0 : i32
    return %arg0 : i32
  }
  func.func @transform_5(%arg0: i32) -> i32 {
    %c0_i32 = arith.constant 0 : i32
    return %arg0 : i32
  }
  func.func @transform_6(%arg0: i32) -> i32 {
    %c0_i32 = arith.constant 0 : i32
    return %arg0 : i32
  }
  func.func @transform_7(%arg0: i32) -> i32 {
    %c0_i32 = arith.constant 0 : i32
    return %arg0 : i32
  }
  func.func @transform_8(%arg0: i32) -> i32 {
    %c0_i32 = arith.constant 0 : i32
    return %arg0 : i32
  }
}

module attributes {stable_mosaic.version = 14 : i64} {
  func.func @_detile_body(%arg0: i32, %arg1: memref<8x125952xf32, #tpu.memory_space<vmem>>, %arg2: memref<125952xf32, #tpu.memory_space<vmem>>, %arg3: memref<125952xf32, #tpu.memory_space<vmem>>, %arg4: memref<125952xf32, #tpu.memory_space<vmem>>, %arg5: memref<125952xf32, #tpu.memory_space<vmem>>, %arg6: memref<125952xf32, #tpu.memory_space<vmem>>, %arg7: memref<125952xf32, #tpu.memory_space<vmem>>, %arg8: memref<125952xf32, #tpu.memory_space<vmem>>, %arg9: memref<125952xf32, #tpu.memory_space<vmem>>) attributes {dimension_semantics = [#tpu.dimension_semantics<arbitrary>], iteration_bounds = array<i64: 8>, scalar_prefetch = 0 : i64, scratch_operands = 0 : i64, tpu.core_type = #tpu.core_type<tc>, window_params = [{transform_indices = @transform_0, window_bounds = array<i64: 8, 125952>}, {transform_indices = @transform_1, window_bounds = array<i64: 125952>}, {transform_indices = @transform_2, window_bounds = array<i64: 125952>}, {transform_indices = @transform_3, window_bounds = array<i64: 125952>}, {transform_indices = @transform_4, window_bounds = array<i64: 125952>}, {transform_indices = @transform_5, window_bounds = array<i64: 125952>}, {transform_indices = @transform_6, window_bounds = array<i64: 125952>}, {transform_indices = @transform_7, window_bounds = array<i64: 125952>}, {transform_indices = @transform_8, window_bounds = array<i64: 125952>}]} {
    %get3A = arith.constant 0 : index
    %get3A_0 = arith.constant 0 : index
    %get3A_1 = vector.load %arg1[%get3A, %get3A_0] : memref<8x125952xf32, #tpu.memory_space<vmem>>, vector<1x125952xf32>
    %get3A_2 = vector.shape_cast %get3A_1 : vector<1x125952xf32> to vector<125952xf32>
    %swap3A = arith.constant 0 : index
    %swap3A_3 = vector.load %arg2[%swap3A] : memref<125952xf32, #tpu.memory_space<vmem>>, vector<125952xf32>
    tpu.vector_store %arg2[%swap3A], %get3A_2 {strides = array<i32>} : memref<125952xf32, #tpu.memory_space<vmem>>, vector<125952xf32>,
    %get3A_4 = arith.constant 1 : index
    %get3A_5 = arith.constant 0 : index
    %get3A_6 = vector.load %arg1[%get3A_4, %get3A_5] : memref<8x125952xf32, #tpu.memory_space<vmem>>, vector<1x125952xf32>
    %get3A_7 = vector.shape_cast %get3A_6 : vector<1x125952xf32> to vector<125952xf32>
    %swap3A_8 = arith.constant 0 : index
    %swap3A_9 = vector.load %arg3[%swap3A_8] : memref<125952xf32, #tpu.memory_space<vmem>>, vector<125952xf32>
    tpu.vector_store %arg3[%swap3A_8], %get3A_7 {strides = array<i32>} : memref<125952xf32, #tpu.memory_space<vmem>>, vector<125952xf32>,
    %get3A_10 = arith.constant 2 : index
    %get3A_11 = arith.constant 0 : index
    %get3A_12 = vector.load %arg1[%get3A_10, %get3A_11] : memref<8x125952xf32, #tpu.memory_space<vmem>>, vector<1x125952xf32>
    %get3A_13 = vector.shape_cast %get3A_12 : vector<1x125952xf32> to vector<125952xf32>
    %swap3A_14 = arith.constant 0 : index
    %swap3A_15 = vector.load %arg4[%swap3A_14] : memref<125952xf32, #tpu.memory_space<vmem>>, vector<125952xf32>
    tpu.vector_store %arg4[%swap3A_14], %get3A_13 {strides = array<i32>} : memref<125952xf32, #tpu.memory_space<vmem>>, vector<125952xf32>,
    %get3A_16 = arith.constant 3 : index
    %get3A_17 = arith.constant 0 : index
    %get3A_18 = vector.load %arg1[%get3A_16, %get3A_17] : memref<8x125952xf32, #tpu.memory_space<vmem>>, vector<1x125952xf32>
    %get3A_19 = vector.shape_cast %get3A_18 : vector<1x125952xf32> to vector<125952xf32>
    %swap3A_20 = arith.constant 0 : index
    %swap3A_21 = vector.load %arg5[%swap3A_20] : memref<125952xf32, #tpu.memory_space<vmem>>, vector<125952xf32>
    tpu.vector_store %arg5[%swap3A_20], %get3A_19 {strides = array<i32>} : memref<125952xf32, #tpu.memory_space<vmem>>, vector<125952xf32>,
    %get3A_22 = arith.constant 4 : index
    %get3A_23 = arith.constant 0 : index
    %get3A_24 = vector.load %arg1[%get3A_22, %get3A_23] : memref<8x125952xf32, #tpu.memory_space<vmem>>, vector<1x125952xf32>
    %get3A_25 = vector.shape_cast %get3A_24 : vector<1x125952xf32> to vector<125952xf32>
    %swap3A_26 = arith.constant 0 : index
    %swap3A_27 = vector.load %arg6[%swap3A_26] : memref<125952xf32, #tpu.memory_space<vmem>>, vector<125952xf32>
    tpu.vector_store %arg6[%swap3A_26], %get3A_25 {strides = array<i32>} : memref<125952xf32, #tpu.memory_space<vmem>>, vector<125952xf32>,
    %get3A_28 = arith.constant 5 : index
    %get3A_29 = arith.constant 0 : index
    %get3A_30 = vector.load %arg1[%get3A_28, %get3A_29] : memref<8x125952xf32, #tpu.memory_space<vmem>>, vector<1x125952xf32>
    %get3A_31 = vector.shape_cast %get3A_30 : vector<1x125952xf32> to vector<125952xf32>
    %swap3A_32 = arith.constant 0 : index
    %swap3A_33 = vector.load %arg7[%swap3A_32] : memref<125952xf32, #tpu.memory_space<vmem>>, vector<125952xf32>
    tpu.vector_store %arg7[%swap3A_32], %get3A_31 {strides = array<i32>} : memref<125952xf32, #tpu.memory_space<vmem>>, vector<125952xf32>,
    %get3A_34 = arith.constant 6 : index
    %get3A_35 = arith.constant 0 : index
    %get3A_36 = vector.load %arg1[%get3A_34, %get3A_35] : memref<8x125952xf32, #tpu.memory_space<vmem>>, vector<1x125952xf32>
    %get3A_37 = vector.shape_cast %get3A_36 : vector<1x125952xf32> to vector<125952xf32>
    %swap3A_38 = arith.constant 0 : index
    %swap3A_39 = vector.load %arg8[%swap3A_38] : memref<125952xf32, #tpu.memory_space<vmem>>, vector<125952xf32>
    tpu.vector_store %arg8[%swap3A_38], %get3A_37 {strides = array<i32>} : memref<125952xf32, #tpu.memory_space<vmem>>, vector<125952xf32>,
    %get3A_40 = arith.constant 7 : index
    %get3A_41 = arith.constant 0 : index
    %get3A_42 = vector.load %arg1[%get3A_40, %get3A_41] : memref<8x125952xf32, #tpu.memory_space<vmem>>, vector<1x125952xf32>
    %get3A_43 = vector.shape_cast %get3A_42 : vector<1x125952xf32> to vector<125952xf32>
    %swap3A_44 = arith.constant 0 : index
    %swap3A_45 = vector.load %arg9[%swap3A_44] : memref<125952xf32, #tpu.memory_space<vmem>>, vector<125952xf32>
    tpu.vector_store %arg9[%swap3A_44], %get3A_43 {strides = array<i32>} : memref<125952xf32, #tpu.memory_space<vmem>>, vector<125952xf32>,
    return
  }
  func.func @transform_0(%arg0: i32) -> (i32, i32) {
    %c1_i32 = arith.constant 1 : i32
    %c0_i32 = arith.constant 0 : i32
    return %c1_i32, %arg0 : i32, i32
  }
  func.func @transform_1(%arg0: i32) -> i32 {
    %c0_i32 = arith.constant 0 : i32
    return %arg0 : i32
  }
  func.func @transform_2(%arg0: i32) -> i32 {
    %c0_i32 = arith.constant 0 : i32
    return %arg0 : i32
  }
  func.func @transform_3(%arg0: i32) -> i32 {
    %c0_i32 = arith.constant 0 : i32
    return %arg0 : i32
  }
  func.func @transform_4(%arg0: i32) -> i32 {
    %c0_i32 = arith.constant 0 : i32
    return %arg0 : i32
  }
  func.func @transform_5(%arg0: i32) -> i32 {
    %c0_i32 = arith.constant 0 : i32
    return %arg0 : i32
  }
  func.func @transform_6(%arg0: i32) -> i32 {
    %c0_i32 = arith.constant 0 : i32
    return %arg0 : i32
  }
  func.func @transform_7(%arg0: i32) -> i32 {
    %c0_i32 = arith.constant 0 : i32
    return %arg0 : i32
  }
  func.func @transform_8(%arg0: i32) -> i32 {
    %c0_i32 = arith.constant 0 : i32
    return %arg0 : i32
  }
}

module attributes {stable_mosaic.version = 14 : i64} {
  func.func @_tc_body(%arg0: i32, %arg1: memref<512x176xf32, #tpu.memory_space<vmem>>, %arg2: memref<512x176xf32, #tpu.memory_space<vmem>>, %arg3: memref<512x352xf32, #tpu.memory_space<vmem>>, %arg4: memref<512x22xf32, #tpu.memory_space<vmem>>, %arg5: memref<512x22xf32, #tpu.memory_space<vmem>>, %arg6: memref<352x16xf32, #tpu.memory_space<vmem>>, %arg7: memref<352x512xf32, #tpu.memory_space<vmem>>, %arg8: memref<1x512xf32, #tpu.memory_space<vmem>>, %arg9: memref<512x512xf32, #tpu.memory_space<vmem>>, %arg10: memref<1x512xf32, #tpu.memory_space<vmem>>, %arg11: memref<1x512xf32, #tpu.memory_space<vmem>>, %arg12: memref<1x1xf32, #tpu.memory_space<vmem>>, %arg13: memref<512x1xf32, #tpu.memory_space<vmem>>) attributes {dimension_semantics = [#tpu.dimension_semantics<parallel>], iteration_bounds = array<i64: 8>, scalar_prefetch = 0 : i64, scratch_operands = 0 : i64, tpu.core_type = #tpu.core_type<tc>, window_params = [{transform_indices = @transform_0, window_bounds = array<i64: 512, 176>}, {transform_indices = @transform_1, window_bounds = array<i64: 512, 176>}, {transform_indices = @transform_2, window_bounds = array<i64: 512, 352>}, {transform_indices = @transform_3, window_bounds = array<i64: 512, 22>}, {transform_indices = @transform_4, window_bounds = array<i64: 512, 22>}, {pipeline_mode = #tpu.pipeline_mode<synchronous>, transform_indices = @transform_5, window_bounds = array<i64: 352, 16>}, {pipeline_mode = #tpu.pipeline_mode<synchronous>, transform_indices = @transform_6, window_bounds = array<i64: 352, 512>}, {pipeline_mode = #tpu.pipeline_mode<synchronous>, transform_indices = @transform_7, window_bounds = array<i64: 1, 512>}, {pipeline_mode = #tpu.pipeline_mode<synchronous>, transform_indices = @transform_8, window_bounds = array<i64: 512, 512>}, {pipeline_mode = #tpu.pipeline_mode<synchronous>, transform_indices = @transform_9, window_bounds = array<i64: 1, 512>}, {pipeline_mode = #tpu.pipeline_mode<synchronous>, transform_indices = @transform_10, window_bounds = array<i64: 1, 512>}, {pipeline_mode = #tpu.pipeline_mode<synchronous>, transform_indices = @transform_11, window_bounds = array<i64: 1, 1>}, {transform_indices = @transform_12, window_bounds = array<i64: 512, 1>}]} {
    %get3A = arith.constant 0 : index
    %get3A_0 = arith.constant 0 : index
    %get3A_1 = vector.load %arg1[%get3A, %get3A_0] : memref<512x176xf32, #tpu.memory_space<vmem>>, vector<512x176xf32>
    %get3A_2 = arith.constant 0 : index
    %get3A_3 = arith.constant 0 : index
    %get3A_4 = vector.load %arg2[%get3A_2, %get3A_3] : memref<512x176xf32, #tpu.memory_space<vmem>>, vector<512x176xf32>
    %concatenate3A = tpu.concatenate %get3A_1, %get3A_4 in 1 : vector<512x176xf32>, vector<512x176xf32> -> vector<512x352xf32>
    %get3A_5 = arith.constant 0 : index
    %get3A_6 = arith.constant 0 : index
    %get3A_7 = vector.load %arg3[%get3A_5, %get3A_6] : memref<512x352xf32, #tpu.memory_space<vmem>>, vector<512x352xf32>
    %mul3A = arith.mulf %concatenate3A, %get3A_7 : vector<512x352xf32>
    %get3A_8 = arith.constant 0 : index
    %get3A_9 = arith.constant 0 : index
    %get3A_10 = vector.load %arg6[%get3A_8, %get3A_9] : memref<352x16xf32, #tpu.memory_space<vmem>>, vector<352x16xf32>
    %dot_general3A = arith.constant dense<0.000000e+00> : vector<512x16xf32>
    %dot_general3A_11 = tpu.matmul %mul3A, %get3A_10, %dot_general3A {dimension_numbers = #tpu.dot_dimension_numbers<[1], [0], [0], [1], [0, 0, 1, 1], [], []>, transpose_lhs_hint = false} : vector<512x352xf32>, vector<352x16xf32>, vector<512x16xf32> -> vector<512x16xf32>
    %mul3A_12 = arith.mulf %dot_general3A_11, %dot_general3A_11 : vector<512x16xf32>
    %reduce_sum3A = arith.constant dense<0.000000e+00> : vector<512xf32>
    %reduce_sum3A_13 = vector.multi_reduction <add>, %mul3A_12, %reduce_sum3A [1] : vector<512x16xf32> to vector<512xf32>
    %broadcast_in_dim3A = vector.shape_cast %reduce_sum3A_13 : vector<512xf32> to vector<512x1xf32>
    %mul3A_14 = arith.mulf %mul3A, %mul3A : vector<512x352xf32>
    %reduce_sum3A_15 = arith.constant dense<0.000000e+00> : vector<512xf32>
    %reduce_sum3A_16 = vector.multi_reduction <add>, %mul3A_14, %reduce_sum3A_15 [1] : vector<512x352xf32> to vector<512xf32>
    %broadcast_in_dim3A_17 = vector.shape_cast %reduce_sum3A_16 : vector<512xf32> to vector<512x1xf32>
    %sub3A = arith.subf %broadcast_in_dim3A, %broadcast_in_dim3A_17 : vector<512x1xf32>
    %mul3A_18 = arith.constant 5.000000e-01 : f32
    %mul3A_19 = vector.broadcast %mul3A_18 : f32 to vector<512x1xf32>
    %mul3A_20 = arith.mulf %mul3A_19, %sub3A : vector<512x1xf32>
    %get3A_21 = arith.constant 0 : index
    %get3A_22 = arith.constant 0 : index
    %get3A_23 = vector.load %arg4[%get3A_21, %get3A_22] : memref<512x22xf32, #tpu.memory_space<vmem>>, vector<512x22xf32>
    %get3A_24 = arith.constant 0 : index
    %get3A_25 = arith.constant 0 : index
    %get3A_26 = vector.load %arg5[%get3A_24, %get3A_25] : memref<512x22xf32, #tpu.memory_space<vmem>>, vector<512x22xf32>
    %mul3A_27 = arith.mulf %get3A_23, %get3A_26 : vector<512x22xf32>
    %reduce_sum3A_28 = arith.constant dense<0.000000e+00> : vector<512xf32>
    %reduce_sum3A_29 = vector.multi_reduction <add>, %mul3A_27, %reduce_sum3A_28 [1] : vector<512x22xf32> to vector<512xf32>
    %broadcast_in_dim3A_30 = vector.shape_cast %reduce_sum3A_29 : vector<512xf32> to vector<512x1xf32>
    %get3A_31 = arith.constant 0 : index
    %get3A_32 = arith.constant 0 : index
    %get3A_33 = vector.load %arg7[%get3A_31, %get3A_32] : memref<352x512xf32, #tpu.memory_space<vmem>>, vector<352x512xf32>
    %dot_general3A_34 = arith.constant dense<0.000000e+00> : vector<512x512xf32>
    %dot_general3A_35 = tpu.matmul %mul3A, %get3A_33, %dot_general3A_34 {dimension_numbers = #tpu.dot_dimension_numbers<[1], [0], [0], [1], [0, 0, 1, 1], [], []>, transpose_lhs_hint = false} : vector<512x352xf32>, vector<352x512xf32>, vector<512x512xf32> -> vector<512x512xf32>
    %get3A_36 = arith.constant 0 : index
    %get3A_37 = arith.constant 0 : index
    %get3A_38 = vector.load %arg8[%get3A_36, %get3A_37] : memref<1x512xf32, #tpu.memory_space<vmem>>, vector<1x512xf32>
    %add3A = vector.broadcast %get3A_38 : vector<1x512xf32> to vector<512x512xf32>
    %add3A_39 = arith.addf %dot_general3A_35, %add3A : vector<512x512xf32>
    %max3A = arith.constant 0.000000e+00 : f32
    %max3A_40 = vector.broadcast %max3A : f32 to vector<512x512xf32>
    %max3A_41 = arith.maximumf %add3A_39, %max3A_40 : vector<512x512xf32>
    %get3A_42 = arith.constant 0 : index
    %get3A_43 = arith.constant 0 : index
    %get3A_44 = vector.load %arg9[%get3A_42, %get3A_43] : memref<512x512xf32, #tpu.memory_space<vmem>>, vector<512x512xf32>
    %dot_general3A_45 = arith.constant dense<0.000000e+00> : vector<512x512xf32>
    %dot_general3A_46 = tpu.matmul %max3A_41, %get3A_44, %dot_general3A_45 {dimension_numbers = #tpu.dot_dimension_numbers<[1], [0], [0], [1], [0, 0, 1, 1], [], []>, transpose_lhs_hint = false} : vector<512x512xf32>, vector<512x512xf32>, vector<512x512xf32> -> vector<512x512xf32>
    %get3A_47 = arith.constant 0 : index
    %get3A_48 = arith.constant 0 : index
    %get3A_49 = vector.load %arg10[%get3A_47, %get3A_48] : memref<1x512xf32, #tpu.memory_space<vmem>>, vector<1x512xf32>
    %add3A_50 = vector.broadcast %get3A_49 : vector<1x512xf32> to vector<512x512xf32>
    %add3A_51 = arith.addf %dot_general3A_46, %add3A_50 : vector<512x512xf32>
    %max3A_52 = arith.constant 0.000000e+00 : f32
    %max3A_53 = vector.broadcast %max3A_52 : f32 to vector<512x512xf32>
    %max3A_54 = arith.maximumf %add3A_51, %max3A_53 : vector<512x512xf32>
    %get3A_55 = arith.constant 0 : index
    %get3A_56 = arith.constant 0 : index
    %get3A_57 = vector.load %arg11[%get3A_55, %get3A_56] : memref<1x512xf32, #tpu.memory_space<vmem>>, vector<1x512xf32>
    %mul3A_58 = vector.broadcast %get3A_57 : vector<1x512xf32> to vector<512x512xf32>
    %mul3A_59 = arith.mulf %max3A_54, %mul3A_58 : vector<512x512xf32>
    %reduce_sum3A_60 = arith.constant dense<0.000000e+00> : vector<512xf32>
    %reduce_sum3A_61 = vector.multi_reduction <add>, %mul3A_59, %reduce_sum3A_60 [1] : vector<512x512xf32> to vector<512xf32>
    %broadcast_in_dim3A_62 = vector.shape_cast %reduce_sum3A_61 : vector<512xf32> to vector<512x1xf32>
    %add3A_63 = arith.addf %broadcast_in_dim3A_30, %mul3A_20 : vector<512x1xf32>
    %add3A_64 = arith.addf %add3A_63, %broadcast_in_dim3A_62 : vector<512x1xf32>
    %get3A_65 = arith.constant 0 : index
    %get3A_66 = arith.constant 0 : index
    %get3A_67 = vector.load %arg12[%get3A_65, %get3A_66] : memref<1x1xf32, #tpu.memory_space<vmem>>, vector<1x1xf32>
    %add3A_68 = vector.broadcast %get3A_67 : vector<1x1xf32> to vector<512x1xf32>
    %add3A_69 = arith.addf %add3A_64, %add3A_68 : vector<512x1xf32>
    %neg3A = arith.constant 0.000000e+00 : f32
    %neg3A_70 = vector.broadcast %neg3A : f32 to vector<512x1xf32>
    %neg3A_71 = arith.subf %neg3A_70, %add3A_69 : vector<512x1xf32>
    %exp3A = math.exp %neg3A_71 : vector<512x1xf32>
    %add3A_72 = arith.constant 1.000000e+00 : f32
    %add3A_73 = vector.broadcast %add3A_72 : f32 to vector<512x1xf32>
    %add3A_74 = arith.addf %add3A_73, %exp3A : vector<512x1xf32>
    %div3A = arith.constant 1.000000e+00 : f32
    %div3A_75 = vector.broadcast %div3A : f32 to vector<512x1xf32>
    %div3A_76 = arith.divf %div3A_75, %add3A_74 : vector<512x1xf32>
    %swap3A = arith.constant 0 : index
    %swap3A_77 = arith.constant 0 : index
    %swap3A_78 = vector.load %arg13[%swap3A, %swap3A_77] : memref<512x1xf32, #tpu.memory_space<vmem>>, vector<512x1xf32>
    tpu.vector_store %arg13[%swap3A, %swap3A_77], %div3A_76 {strides = array<i32>} : memref<512x1xf32, #tpu.memory_space<vmem>>, vector<512x1xf32>,
    return
  }
  func.func @transform_0(%arg0: i32) -> (i32, i32) {
    %c0_i32 = arith.constant 0 : i32
    %c0_i32_0 = arith.constant 0 : i32
    return %arg0, %c0_i32 : i32, i32
  }
  func.func @transform_1(%arg0: i32) -> (i32, i32) {
    %c0_i32 = arith.constant 0 : i32
    %c0_i32_0 = arith.constant 0 : i32
    return %arg0, %c0_i32 : i32, i32
  }
  func.func @transform_2(%arg0: i32) -> (i32, i32) {
    %c0_i32 = arith.constant 0 : i32
    %c0_i32_0 = arith.constant 0 : i32
    return %arg0, %c0_i32 : i32, i32
  }
  func.func @transform_3(%arg0: i32) -> (i32, i32) {
    %c0_i32 = arith.constant 0 : i32
    %c0_i32_0 = arith.constant 0 : i32
    return %arg0, %c0_i32 : i32, i32
  }
  func.func @transform_4(%arg0: i32) -> (i32, i32) {
    %c0_i32 = arith.constant 0 : i32
    %c0_i32_0 = arith.constant 0 : i32
    return %arg0, %c0_i32 : i32, i32
  }
  func.func @transform_5(%arg0: i32) -> (i32, i32) {
    %c0_i32 = arith.constant 0 : i32
    %c0_i32_0 = arith.constant 0 : i32
    %c0_i32_1 = arith.constant 0 : i32
    return %c0_i32, %c0_i32_0 : i32, i32
  }
  func.func @transform_6(%arg0: i32) -> (i32, i32) {
    %c0_i32 = arith.constant 0 : i32
    %c0_i32_0 = arith.constant 0 : i32
    %c0_i32_1 = arith.constant 0 : i32
    return %c0_i32, %c0_i32_0 : i32, i32
  }
  func.func @transform_7(%arg0: i32) -> (i32, i32) {
    %c0_i32 = arith.constant 0 : i32
    %c0_i32_0 = arith.constant 0 : i32
    %c0_i32_1 = arith.constant 0 : i32
    return %c0_i32, %c0_i32_0 : i32, i32
  }
  func.func @transform_8(%arg0: i32) -> (i32, i32) {
    %c0_i32 = arith.constant 0 : i32
    %c0_i32_0 = arith.constant 0 : i32
    %c0_i32_1 = arith.constant 0 : i32
    return %c0_i32, %c0_i32_0 : i32, i32
  }
  func.func @transform_9(%arg0: i32) -> (i32, i32) {
    %c0_i32 = arith.constant 0 : i32
    %c0_i32_0 = arith.constant 0 : i32
    %c0_i32_1 = arith.constant 0 : i32
    return %c0_i32, %c0_i32_0 : i32, i32
  }
  func.func @transform_10(%arg0: i32) -> (i32, i32) {
    %c0_i32 = arith.constant 0 : i32
    %c0_i32_0 = arith.constant 0 : i32
    %c0_i32_1 = arith.constant 0 : i32
    return %c0_i32, %c0_i32_0 : i32, i32
  }
  func.func @transform_11(%arg0: i32) -> (i32, i32) {
    %c0_i32 = arith.constant 0 : i32
    %c0_i32_0 = arith.constant 0 : i32
    %c0_i32_1 = arith.constant 0 : i32
    return %c0_i32, %c0_i32_0 : i32, i32
  }
  func.func @transform_12(%arg0: i32) -> (i32, i32) {
    %c0_i32 = arith.constant 0 : i32
    %c0_i32_0 = arith.constant 0 : i32
    return %arg0, %c0_i32 : i32, i32
  }
}

</mosaic_0001>

<sc_bundles>
// kernel: kernel.10.cloned.1.call-start
scs
__scs_entry_jumppad:
0x0: {  	(pc) =	sbr.rel $0x88, $3  }
0x1: {  	(tag) =	ssettag $0x0;
	lr =	simm.s32 $0x1  }
0x2: {  	[smem:$0x3F96] =	sst lr;
	_ =	strace $0xD0000000  }
0x3: {  	_ = 	snop  }
0x4: {  	_ = 	snop  }
0x5: {  	_ = 	snop  }
0x6: {  	_ = 	snop  }
0x7: {  	_ = 	snop  }
__scs_overlays_trampoline_lowered:
0x8: {  	[smem:$0x3FA5] =	sst s0  }
0x9: {  	[smem:$0x3FA6] =	sst s1  }
0xa: {  	[smem:$0x3FA7] =	sst s2  }
0xb: {  	[smem:$0x3FA8] =	sst s3  }
0xc: {  	[smem:$0x3FA9] =	sst s4  }
0xd: {  	[smem:$0x3FAA] =	sst s5  }
0xe: {  	[smem:$0x3FAB] =	sst s6  }
0xf: {  	[smem:$0x3FAC] =	sst s7  }
0x10: {  	[smem:$0x3FAD] =	sst s8  }
0x11: {  	[smem:$0x3FAE] =	sst s9;
	s0 =	simm.s32 @!p0 $0x0  }
0x12: {  	s1 =	sld [smem:$0x3F94];
	s0 =	simm.s32 @p0 $0x1  }
0x13: {  	[smem:$0x3FAF] =	sst s0;
	s0 =	simm.s32 @!p1 $0x0  }
0x14: {  	s2 =	sld [smem:$0x3F93];
	s0 =	simm.s32 @p1 $0x1  }
0x15: {  	[smem:$0x3FB0] =	sst s0;
	s0 =	simm.s32 @!p2 $0x0  }
0x16: {  	s3 =	sld [smem:$0x3FDB];
	s0 =	simm.s32 @p2 $0x1  }
0x17: {  	s4 =	simm.s32 $0x1BF5;
	[smem:$0x3FB2] =	sst s0  }
0x18: {  	s0 =	sld [smem:$0x3F95];
	_ =	swait.ge [sflag:s4], $0x0  }
0x19: {  	s7 =	sld [smem:$0x3F96]  }
0x1a: {  	s8 =	sadd.s32 $0xFFFFE003, lr  }
0x1b: {  	s9 =	sadd.s32 $0xFFFFFEF7, lr;
	s5 =	simm.s32 $0xFFFFFFFF;
	p2 =	slt.u32 s8, $0xFFFFF086  }
0x1c: {  	p1 =	slt.u32 s9, $0xF7A;
	s5 =	simm.s32 @!p2 $0x0  }
0x1d: {  	s5 =	simm.s32 @p1 $0x1;
	p0 =	seq.s32 s7, s2  }
0x1e: {  	s7 =	smul.u32 @!p0 $0xF7A, s2;
	p2 =	seq.s32 @!p0 s5, $0x0  }
0x1f: {  	s9 =	smul.u32 $0xF7A, s1;
	s8 =	simm.s32 @!p0 $0x1BF5;
	p2 =	por !p2, p0  }
0x20: {  	[sflag:s8] =	ssyncset.s32 @!p0 $0xFFFFF086;
	s6 =	sadd.s32 @!p0 s3, s7;
	s7 =	simm.s32 @!p0 $0x108  }
0x21: {  	s3 =	sadd.s32 s3, s9;
	s6 =	sadd.s32 @!p0 $0x88, s6;
	s7 =	simm.s32 @p2 $0x1082  }
0x22: {  	[simem:s7], [sflag:s8] =	dma.local @!p0 [hbm:s6], $0xF7A  }
0x23: {  	s9 =	sor.u32 $0xD0000000, s2;
	s6 =	simm.s32 $0x108;
	_ =	swait.ge @!p0 [sflag:s8], $0x0  }
0x24: {  	s3 =	sadd.s32 $0x88, s3;
	s6 =	simm.s32 @!p1 $0x1082;
	[sflag:s4] =	ssyncset.s32 $0xFFFFF086  }
0x25: {  	[simem:s6], [sflag:s4] =	dma.local [hbm:s3], $0xF7A  }
0x26: {  	[smem:$0x3F96] =	sst s1;
	(tag) =	ssettag s2;
	_ =	strace s9  }
0x27: {  	s1 =	sld [smem:$0x3FA6]  }
0x28: {  	s2 =	sld [smem:$0x3FA7]  }
0x29: {  	s4 =	sld [smem:$0x3FA9]  }
0x2a: {  	p0 =	seq.s32 s5, $0x0;
	s5 =	sld [smem:$0x3FAA]  }
0x2b: {  	s6 =	sld [smem:$0x3FAB]  }
0x2c: {  	s7 =	sld [smem:$0x3FAC]  }
0x2d: {  	s3 =	simm.s32 $0x108;
	s8 =	sld [smem:$0x3FAD]  }
0x2e: {  	s3 =	simm.s32 @!p0 $0x1082;
	s9 =	sld [smem:$0x3FAE]  }
0x2f: {  	lr =	sadd.s32 s0, s3;
	s0 =	sld [smem:$0x3FA5]  }
0x30: {  	s3 =	sld [smem:$0x3FA8]  }
0x31: {  	[smem:$0x3FB1] =	sst s10  }
0x32: {  	s10 =	sld [smem:$0x3FAF];
	_ =	sdelay $0x3  }
0x33: {  	p0 =	seq.s32 s10, $0x1;
	s10 =	sld [smem:$0x3FB1];
	_ =	sdelay $0x3  }
0x34: {  	[smem:$0x3FB1] =	sst s10  }
0x35: {  	s10 =	sld [smem:$0x3FB0];
	_ =	sdelay $0x3  }
0x36: {  	p1 =	seq.s32 s10, $0x1;
	s10 =	sld [smem:$0x3FB1];
	_ =	sdelay $0x3  }
0x37: {  	[smem:$0x3FB1] =	sst s10  }
0x38: {  	s10 =	sld [smem:$0x3FB2]  }
0x39: {  	_ = 	snop;
	(pc) =	sbr.ind lr, $3  }
0x3a: {  	_ = 	snop  }
0x3b: {  	_ = 	snop  }
0x3c: {  	p2 =	seq.s32 s10, $0x1;
	s10 =	sld [smem:$0x3FB1]  }
0x3d: {  	_ =	shalt  }
0x3e: {  	_ =	shalt  }
0x3f: {  	_ =	shalt  }
0x40: {  	_ =	shalt  }
0x41: {  	_ =	shalt  }
0x42: {  	_ =	shalt  }
0x43: {  	_ =	shalt  }
0x44: {  	_ =	shalt  }
0x45: {  	_ =	shalt  }
0x46: {  	_ =	shalt  }
0x47: {  	_ =	shalt  }
0x48: {  	_ =	shalt  }
0x49: {  	_ =	shalt  }
0x4a: {  	_ =	shalt  }
0x4b: {  	_ =	shalt  }
0x4c: {  	_ =	shalt  }
0x4d: {  	_ =	shalt  }
0x4e: {  	_ =	shalt  }
0x4f: {  	_ =	shalt  }
0x50: {  	_ =	shalt  }
0x51: {  	_ =	shalt  }
0x52: {  	_ =	shalt  }
0x53: {  	_ =	shalt  }
0x54: {  	_ =	shalt  }
0x55: {  	_ =	shalt  }
0x56: {  	_ =	shalt  }
0x57: {  	_ =	shalt  }
0x58: {  	_ =	shalt  }
0x59: {  	_ =	shalt  }
0x5a: {  	_ =	shalt  }
0x5b: {  	_ =	shalt  }
0x5c: {  	_ =	shalt  }
0x5d: {  	_ =	shalt  }
0x5e: {  	_ =	shalt  }
0x5f: {  	_ =	shalt  }
0x60: {  	_ =	shalt  }
0x61: {  	_ =	shalt  }
0x62: {  	_ =	shalt  }
0x63: {  	_ =	shalt  }
0x64: {  	_ =	shalt  }
0x65: {  	_ =	shalt  }
0x66: {  	_ =	shalt  }
0x67: {  	_ =	shalt  }
0x68: {  	_ =	shalt  }
0x69: {  	_ =	shalt  }
0x6a: {  	_ =	shalt  }
0x6b: {  	_ =	shalt  }
0x6c: {  	_ =	shalt  }
0x6d: {  	_ =	shalt  }
0x6e: {  	_ =	shalt  }
0x6f: {  	_ =	shalt  }
0x70: {  	_ =	shalt  }
0x71: {  	_ =	shalt  }
0x72: {  	_ =	shalt  }
0x73: {  	_ =	shalt  }
0x74: {  	_ =	shalt  }
0x75: {  	_ =	shalt  }
0x76: {  	_ =	shalt  }
0x77: {  	_ =	shalt  }
0x78: {  	_ =	shalt  }
0x79: {  	_ =	shalt  }
0x7a: {  	_ =	shalt  }
0x7b: {  	_ =	shalt  }
0x7c: {  	_ =	shalt  }
0x7d: {  	_ =	shalt  }
0x7e: {  	_ =	shalt  }
0x7f: {  	_ =	shalt  }
0x80: {  	_ =	shalt  }
0x81: {  	_ =	shalt  }
0x82: {  	_ =	shalt  }
0x83: {  	_ =	shalt  }
0x84: {  	_ =	shalt  }
0x85: {  	_ =	shalt  }
0x86: {  	_ =	shalt  }
0x87: {  	_ =	shalt  }
.Lfunc_end0:
.L_simem_size_0:
called_computation.1_lowered:
.L_overlay_start_0:
0x88: {  	s2 =	sld [smem:$0x3FD9]  }
0x89: {  	s3 =	sld [smem:$0x3FFE];
	_ =	sdelay $0x1  }
0x8a: {  	s1 =	srdreg.scid  }
0x8b: {  	s0 =	sand.u32 $0x1, s1  }
0x8c: {  	s17 =	sshll.u32 s0, $0xA;
	s2 =	sadd.s32 s3, s2  }
0x8d: {  	s2 =	sadd.s32 s2, s17  }
0x8e: {  	[smem:$0x3FBD] =	sst s2  }
0x8f: {  	_ = 	snop  }
0x90: {  	(tm) =	ssettm $0x1  }
0x91: {  	s18 =	sld [smem:$0x3FFB];
	_ =	sdelay $0x3  }
0x92: {  	_ =	strace s18  }
0x93: {  	s2 =	sld [smem:$0x3FFC];
	_ =	sdelay $0x3  }
0x94: {  	_ =	strace s2  }
0x95: {  	s2 =	sld [smem:$0x3FFD];
	_ =	sdelay $0x3  }
0x96: {  	_ =	strace s2  }
0x97: {  	_ =	strace $0x8FFFFFFF  }
0x98: {  	s19 =	sld [smem:$0x3FDB];
	_ =	sdelay $0x1  }
0x99: {  	s20 =	simm.s32 $_scs_section_size  }
0x9a: {  	s4 =	simm.s32 $_size__tile_overlayer_lowered;
	s5 =	simm.s32 $_tile_overlayer_lowered  }
0x9b: {  	s6 =	simm.s32 $0x1BFF;
	s21 =	sshll.u32 s5, $0x1;
	s3 =	sadd.s32 s20, s19  }
0x9c: {  	s22 =	simm.s32 $0x0;
	s4 =	sshll.u32 s4, $0x1;
	s5 =	sadd.s32 s21, s3  }
0x9d: {  	[timem:s22], [sflag:s6] =	dma.local [hbm:s5], s4  }
0x9e: {  	_ =	swait.ge [sflag:s6], s4  }
0x9f: {  	s4 =	ssub.s32 $0x0, s4;
	[sflag:s6] =	ssyncset.done $0x0  }
0xa0: {  	[sflag:s6] =	ssyncadd.s32 s4;
	_ =	sdelay $0x1  }
0xa1: {  	s23 =	simm.s32 $0x1B8B  }
0xa2: {  	_ =	swait.ge [sflag:s23], $0x1  }
0xa3: {  	[sflag:s23] =	ssyncset.done $0x0  }
0xa4: {  	[sflag:s23] =	ssyncadd.s32 $0xFFFFFFFF  }
0xa5: {  	s4 =	sld [smem:$0x0]  }
0xa6: {  	s5 =	sand.u32 $0xFFFFFFFE, s1  }
0xa7: {  	p0 =	sne.s32 s1, s5  }
0xa8: {  	s5 =	sshll.u32 @p0 s5, $0xE  }
0xa9: {  	s5 =	sadd.s32 @p0 $0x11B8D, s5;
	s6 =	sshll.u32 @p0 s4, $0x11  }
0xaa: {  	s5 =	sor.u32 @p0 s6, s5  }
0xab: {  	[sflag:s5] =	ssyncadd.remote.s32 @p0 $0x1;
	_ =	sdelay $0x1  }
0xac: {  	s5 =	simm.s32 @p0 $0x1B8D  }
0xad: {  	_ =	swait.eq @p0 [sflag:s5], $0x1  }
0xae: {  	[sflag:s5] =	ssyncadd.s32 @p0 $0xFFFFFFFF  }
0xaf: {  	s6 =	sshll.u32 @!p0 s1, $0xE  }
0xb0: {  	s6 =	sor.u32 @!p0 $0x4000, s6;
	s5 =	simm.s32 @!p0 $0x1B8D  }
0xb1: {  	s4 =	sshll.u32 @!p0 s4, $0x11;
	s6 =	sadd.s32 @!p0 $0x11B8D, s6;
	_ =	swait.eq @!p0 [sflag:s5], $0x1  }
0xb2: {  	s4 =	sor.u32 @!p0 s4, s6;
	[sflag:s5] =	ssyncadd.s32 @!p0 $0xFFFFFFFF  }
0xb3: {  	s25 =	simm.s32 $0x1B8E;
	s24 =	sld [smem:$0x3FFE];
	[sflag:s4] =	ssyncadd.remote.s32 @!p0 $0x1  }
0xb4: {  	s26 =	simm.s32 $execute0_lowered;
	[smem:$0x3FD2] =	sst s25  }
0xb5: {  	s5 =	sshll.u32 s26, $0x1;
	_ =	strace $0x80000049;
	[dreg:$0x1] =	wrdreg $0xFFFFFFFF  }
0xb6: {  	s28 =	simm.s32 $_size_execute0_lowered;
	s3 =	sadd.s32 s3, s5;
	[dreg:$0x0] =	wrdreg $0x0  }
0xb7: {  	s5 =	sshll.u32 s28, $0x1;
	[dreg:$0x2] =	wrdreg s3  }
0xb8: {  	[dreg:$0x3] =	wrdreg s5  }
0xb9: {  	[dreg:$0x4] =	wrdreg $0xC0  }
0xba: {  	_ =	task [dreg:s22], $0x5FFFF  }
0xbb: {  	[dreg:$0x1] =	wrdreg $0xFFFFFFFF  }
0xbc: {  	[dreg:$0x0] =	wrdreg $0x60  }
0xbd: {  	[dreg:$0x2] =	wrdreg s24  }
0xbe: {  	[dreg:$0x3] =	wrdreg $0xA  }
0xbf: {  	_ =	task.clear_ibuf [dreg:s22], $0x4FFFF;
	_ =	strace $0x90000049  }
0xc0: {  	s29 =	simm.s32 $0xA;
	_ =	strace $0x8000004B  }
0xc1: {  	_ =	swait.ge [sflag:s29], $0x1  }
0xc2: {  	[sflag:s29] =	ssyncadd.s32 $0xFFFFFFFF  }
0xc3: {  	_ =	strace $0x9000004B  }
0xc4: {  	_ =	sfence  }
0xc5: {  	s30 =	sld [smem:$0x0];
	_ =	sdelay $0x2  }
0xc6: {  	s31 =	sshll.u32 s1, $0xD;
	s1 =	sshrl.u32 s1, $0x2  }
0xc7: {  	s4 =	sand.u32 $0x4000, s31;
	s1 =	sadd.s32 s1, s30  }
0xc8: {  	s0 =	sor.u32 s4, s0;
	s1 =	sshll.u32 s1, $0x11  }
0xc9: {  	s0 =	sor.u32 s1, s0  }
0xca: {  	s0 =	sadd.s32 $0x8F2B, s0  }
0xcb: {  	[sflag:s0] =	ssyncadd.remote.s32 $0x1  }
0xcc: {  	_ =	sfence.sel $0xFFFF  }
0xcd: {  	[dreg:$0x0] =	wrdreg $0xFFFFFFFF;
	(pc) =	sbr.abs _section_cstart, $3  }
0xce: {  	[dreg:$0x1] =	wrdreg $0xFFFFFFFF  }
0xcf: {  	_ =	task.clear_ibuf [dreg:s22], $0x2FFFF;
	_ =	strace $0x9FFFFFFF  }
0xd0: {  	(tm) =	ssettm $0x7FFFFFFF  }
0xd1: {  	_ =	shalt  }
tec
execute0_lowered:
.L_overlay_start_1:
0x0: {  	(tag) =	ssettag $0x1  }
0x1: {  	v0 =	vimm.s32 $0x4D01;
	vm14 =	vcmask $0x300  }
0x2: {  	vm13 =	vcmask $0x704;
	vm12 =	vcmask $0xB08;
	vm11 =	vcmask $0xF0C  }
0x3: {  	vm10 =	vcmask $0x1310;
	vm9 =	vcmask $0x1714;
	vm8 =	vcmask $0x1B18  }
0x4: {  	vm7 =	vcmask $0x1F1C;
	vm6 =	vcmask $0x2320;
	vm5 =	vcmask $0x2724  }
0x5: {  	vm4 =	vcmask $0x2B28;
	vm2 =	vcmask $0x2F2C;
	v5 =	vlaneseq.u32  }
0x6: {  	vm3 =	vcmask $0x3330;
	vm1 =	vcmask $0x3734;
	vm0 =	vcmask $0x3B38  }
0x7: {  	v6 =	vimm.s32 $0x4D03;
	v7 =	vimm.s32 $0x4D05;
	v8 =	vimm.s32 $0x4D07  }
0x8: {  	v0 =	vsel vm14, $0x0, v0;
	v1 =	vshrl.u32 v5, $0x3;
	v5 =	vand.u32 $0x7, v5  }
0x9: {  	v6 =	vsel vm14, $0x2, v6;
	v7 =	vsel vm14, $0x4, v7;
	v8 =	vsel vm14, $0x6, v8  }
0xa: {  	v0 =	vsel vm13, $0xB00, v0;
	v6 =	vsel vm13, $0xB02, v6;
	v7 =	vsel vm13, $0xB04, v7  }
0xb: {  	v8 =	vsel vm13, $0xB06, v8;
	v0 =	vsel vm12, $0x1600, v0;
	v6 =	vsel vm12, $0x1602, v6  }
0xc: {  	v7 =	vsel vm12, $0x1604, v7;
	v8 =	vsel vm12, $0x1606, v8;
	v0 =	vsel vm11, $0x2100, v0  }
0xd: {  	v6 =	vsel vm11, $0x2102, v6;
	v7 =	vsel vm11, $0x2104, v7;
	v8 =	vsel vm11, $0x2106, v8  }
0xe: {  	v0 =	vsel vm10, $0x2C00, v0;
	v6 =	vsel vm10, $0x2C02, v6;
	v7 =	vsel vm10, $0x2C04, v7  }
0xf: {  	v8 =	vsel vm10, $0x2C06, v8;
	v0 =	vsel vm9, $0x3700, v0;
	v6 =	vsel vm9, $0x3702, v6  }
0x10: {  	s0 =	rddreg [dreg:$0x0];
	s2 =	simm.s32 $0x0;
	v7 =	vsel vm9, $0x3704, v7;
	v8 =	vsel vm9, $0x3706, v8;
	v0 =	vsel vm8, $0x4200, v0  }
0x11: {  	s1 =	srdreg.scid;
	s3 =	stileid.u32;
	s14 =	simm.s32 $0x2;
	v6 =	vsel vm8, $0x4202, v6;
	v7 =	vsel vm8, $0x4204, v7;
	v8 =	vsel vm8, $0x4206, v8  }
0x12: {  	s16 =	simm.s32 $0xB00;
	s24 =	simm.s32 $0xB80;
	s25 =	simm.s32 $0x1680;
	v0 =	vsel vm7, $0x4D00, v0;
	v6 =	vsel vm7, $0x4D02, v6;
	v7 =	vsel vm7, $0x4D04, v7  }
0x13: {  	s26 =	simm.s32 $0x2180;
	s28 =	simm.s32 $0x2C80;
	s29 =	simm.s32 $0x3780;
	v8 =	vsel vm7, $0x4D06, v8;
	v0 =	vsel vm6, $0x1, v0;
	v6 =	vsel vm6, $0x3, v6  }
0x14: {  	s30 =	simm.s32 $0x4280;
	s31 =	simm.s32 $0x4D80;
	s4 =	sadd.s32 $0x18F800, s0;
	v7 =	vsel vm6, $0x5, v7;
	v8 =	vsel vm6, $0x7, v8;
	v0 =	vsel vm5, $0xB01, v0  }
0x15: {  	s15 =	simm.s32 $0x80;
	s17 =	simm.s32 $0x6300;
	s5 =	sadd.s32 $0x1AE400, s0;
	v6 =	vsel vm5, $0xB03, v6;
	v7 =	vsel vm5, $0xB05, v7;
	v8 =	vsel vm5, $0xB07, v8  }
0x16: {  	s18 =	simm.s32 $0x0;
	[smem:$0x7FF] =	sst s2;
	s7 =	sadd.s32 $0x114800, s0;
	v0 =	vsel vm4, $0x1601, v0;
	v6 =	vsel vm4, $0x1603, v6;
	v7 =	vsel vm4, $0x1605, v7  }
0x17: {  	s1 =	sand.u32 $0x1, s1;
	s3 =	sshll.u32 s3, $0x1;
	s9 =	sadd.s32 $0x133400, s0;
	v8 =	vsel vm4, $0x1607, v8;
	v0 =	vsel vm2, $0x2101, v0;
	v6 =	vsel vm2, $0x2103, v6  }
0x18: {  	s10 =	sadd.s32 $0x152000, s0;
	_ =	strace $0x8000004A;
	s8 =	sor.u32 s1, s3;
	v7 =	vsel vm2, $0x2105, v7;
	v8 =	vsel vm2, $0x2107, v8;
	v2 =	vsel vm3, $0x2C01, v0  }
0x19: {  	s3 =	sadd.s32 $0x170C00, s0;
	s1 =	ssub.s32 $0x2, s1;
	s6 =	smul.u32 $0x160, s8;
	v0 =	vmul.u32 $0x8, v1;
	v6 =	vsel vm3, $0x2C03, v6;
	v7 =	vsel vm3, $0x2C05, v7  }
0x1a: {  	s12 =	smul.u32 $0xB00, s8;
	s8 =	sadd.s32 $0x1CD000, s0;
	s13 =	sshrl.u32 s1, $0x1;
	v8 =	vsel vm3, $0x2C07, v8;
	v1 =	vsel vm1, $0x3701, v2;
	v6 =	vsel vm1, $0x3703, v6  }
0x1b: {  	s1 =	ssub.s32 s1, s13;
	s11 =	sadd.s32 s6, s0;
	s6 =	sadd.s32 $0x1EBC00, s0;
	v7 =	vsel vm1, $0x3705, v7;
	v8 =	vsel vm1, $0x3707, v8;
	v1 =	vsel vm0, $0x4201, v1  }
0x1c: {  	s0 =	sadd.s32 s12, s0;
	s13 =	smax.u32 s1, $0x1;
	s11 =	sadd.s32 $0x3000, s11;
	v2 =	vor.u32 $0x30, v0;
	v3 =	vor.u32 $0x20, v0;
	v4 =	vor.u32 $0x10, v0  }
0x1d: {  	s1 =	simm.s32 $0x1;
	s12 =	sadd.s32 $0x20A800, s0;
	s0 =	simm.s32 $0x5880;
	v6 =	vsel vm0, $0x4203, v6;
	v7 =	vsel vm0, $0x4205, v7;
	v8 =	vsel vm0, $0x4207, v8  }
.LBB2_1:
0x1e: {  	[tilespmem:s2], [sflag:$0x2] =	stream.linear.gather [hbm4b:s11+s2], $0xB00, $0x38;
	[tilespmem:$0xBB00] =	vst v63  }
0x1f: {  	_ =	swait.ge [sflag:s14], $0xB00  }
0x20: {  	[sflag:s14] =	ssyncset.done $0x0  }
0x21: {  	[sflag:s14] =	ssyncadd.s32 $0xFFFFF500  }
0x22: {  	[tilespmem:s16], [sflag:$0x1] =	stream.indirect.gather [hbm4b:s3+s15], $0x1, s2, s15, $0xb8;
	[tilespmem:$0xBB00] =	vst v63  }
0x23: {  	s19 =	simm.s32 $0x1600  }
0x24: {  	[tilespmem:s19], [sflag:$0x1] =	stream.indirect.gather [hbm4b:s4+s15], $0x1, s2, s15, $0xb8;
	[tilespmem:$0xBB00] =	vst v63  }
0x25: {  	s20 =	simm.s32 $0x2100  }
0x26: {  	[tilespmem:s20], [sflag:$0x1] =	stream.indirect.gather [hbm4b:s5+s15], $0x1, s2, s15, $0xb8;
	[tilespmem:$0xBB00] =	vst v63  }
0x27: {  	s21 =	simm.s32 $0x2C00  }
0x28: {  	[tilespmem:s21], [sflag:$0x1] =	stream.indirect.gather [hbm4b:s8+s15], $0x1, s2, s15, $0xb8;
	[tilespmem:$0xBB00] =	vst v63  }
0x29: {  	s22 =	simm.s32 $0x3700  }
0x2a: {  	[tilespmem:s22], [sflag:$0x1] =	stream.indirect.gather [hbm4b:s6+s15], $0x1, s2, s15, $0xb8;
	[tilespmem:$0xBB00] =	vst v63  }
0x2b: {  	s23 =	simm.s32 $0x4200  }
0x2c: {  	[tilespmem:s23], [sflag:$0x1] =	stream.indirect.gather [hbm4b:s7+s15], $0x1, s2, s15, $0xb8;
	[tilespmem:$0xBB00] =	vst v63  }
0x2d: {  	s20 =	simm.s32 $0x4D00  }
0x2e: {  	[tilespmem:s20], [sflag:$0x1] =	stream.indirect.gather [hbm4b:s9+s15], $0x1, s2, s15, $0xb8;
	[tilespmem:$0xBB00] =	vst v63  }
0x2f: {  	s21 =	simm.s32 $0x5800  }
0x30: {  	[tilespmem:s21], [sflag:$0x1] =	stream.indirect.gather [hbm4b:s10+s15], $0x1, s2, s15, $0xb8;
	[tilespmem:$0xBB00] =	vst v63  }
0x31: {  	_ = 	snop  }
0x32: {  	[tilespmem:s24], [sflag:$0x1] =	stream.indirect.gather [hbm4b:s3+s15], $0x1, s15, s15, $0xb8;
	[tilespmem:$0xBB00] =	vst v63  }
0x33: {  	_ = 	snop  }
0x34: {  	[tilespmem:s25], [sflag:$0x1] =	stream.indirect.gather [hbm4b:s4+s15], $0x1, s15, s15, $0xb8;
	[tilespmem:$0xBB00] =	vst v63  }
0x35: {  	_ = 	snop  }
0x36: {  	[tilespmem:s26], [sflag:$0x1] =	stream.indirect.gather [hbm4b:s5+s15], $0x1, s15, s15, $0xb8;
	[tilespmem:$0xBB00] =	vst v63  }
0x37: {  	_ = 	snop  }
0x38: {  	[tilespmem:s28], [sflag:$0x1] =	stream.indirect.gather [hbm4b:s8+s15], $0x1, s15, s15, $0xb8;
	[tilespmem:$0xBB00] =	vst v63  }
0x39: {  	_ = 	snop  }
0x3a: {  	[tilespmem:s29], [sflag:$0x1] =	stream.indirect.gather [hbm4b:s6+s15], $0x1, s15, s15, $0xb8;
	[tilespmem:$0xBB00] =	vst v63  }
0x3b: {  	_ = 	snop  }
0x3c: {  	[tilespmem:s30], [sflag:$0x1] =	stream.indirect.gather [hbm4b:s7+s15], $0x1, s15, s15, $0xb8;
	[tilespmem:$0xBB00] =	vst v63  }
0x3d: {  	_ = 	snop  }
0x3e: {  	[tilespmem:s31], [sflag:$0x1] =	stream.indirect.gather [hbm4b:s9+s15], $0x1, s15, s15, $0xb8;
	[tilespmem:$0xBB00] =	vst v63  }
0x3f: {  	_ = 	snop  }
0x40: {  	[tilespmem:s0], [sflag:$0x1] =	stream.indirect.gather [hbm4b:s10+s15], $0x1, s15, s15, $0xb8;
	[tilespmem:$0xBB00] =	vst v63  }
0x41: {  	s22 =	simm.s32 $0xC00;
	s20 =	simm.s32 $0x100  }
0x42: {  	[tilespmem:s22], [sflag:$0x1] =	stream.indirect.gather [hbm4b:s3+s15], $0x1, s20, s15, $0xb8;
	[tilespmem:$0xBB00] =	vst v63  }
0x43: {  	s23 =	simm.s32 $0x1700  }
0x44: {  	[tilespmem:s23], [sflag:$0x1] =	stream.indirect.gather [hbm4b:s4+s15], $0x1, s20, s15, $0xb8;
	[tilespmem:$0xBB00] =	vst v63  }
0x45: {  	s21 =	simm.s32 $0x2200  }
0x46: {  	[tilespmem:s21], [sflag:$0x1] =	stream.indirect.gather [hbm4b:s5+s15], $0x1, s20, s15, $0xb8;
	[tilespmem:$0xBB00] =	vst v63  }
0x47: {  	s22 =	simm.s32 $0x2D00  }
0x48: {  	[tilespmem:s22], [sflag:$0x1] =	stream.indirect.gather [hbm4b:s8+s15], $0x1, s20, s15, $0xb8;
	[tilespmem:$0xBB00] =	vst v63  }
0x49: {  	s23 =	simm.s32 $0x3800  }
0x4a: {  	[tilespmem:s23], [sflag:$0x1] =	stream.indirect.gather [hbm4b:s6+s15], $0x1, s20, s15, $0xb8;
	[tilespmem:$0xBB00] =	vst v63  }
0x4b: {  	s21 =	simm.s32 $0x4300  }
0x4c: {  	[tilespmem:s21], [sflag:$0x1] =	stream.indirect.gather [hbm4b:s7+s15], $0x1, s20, s15, $0xb8;
	[tilespmem:$0xBB00] =	vst v63  }
0x4d: {  	s22 =	simm.s32 $0x4E00  }
0x4e: {  	[tilespmem:s22], [sflag:$0x1] =	stream.indirect.gather [hbm4b:s9+s15], $0x1, s20, s15, $0xb8;
	[tilespmem:$0xBB00] =	vst v63  }
0x4f: {  	s23 =	simm.s32 $0x5900  }
0x50: {  	[tilespmem:s23], [sflag:$0x1] =	stream.indirect.gather [hbm4b:s10+s15], $0x1, s20, s15, $0xb8;
	[tilespmem:$0xBB00] =	vst v63  }
0x51: {  	_ =	swait.ge [sflag:s1], $0x80  }
0x52: {  	[sflag:s1] =	ssyncset.done $0x0  }
0x53: {  	[sflag:s1] =	ssyncadd.s32 $0xFFFFFF80  }
0x54: {  	_ =	swait.ge [sflag:s1], $0x80  }
0x55: {  	[sflag:s1] =	ssyncset.done $0x0  }
0x56: {  	[sflag:s1] =	ssyncadd.s32 $0xFFFFFF80  }
0x57: {  	_ =	swait.ge [sflag:s1], $0x80  }
0x58: {  	[sflag:s1] =	ssyncset.done $0x0  }
0x59: {  	[sflag:s1] =	ssyncadd.s32 $0xFFFFFF80  }
0x5a: {  	_ =	swait.ge [sflag:s1], $0x80  }
0x5b: {  	[sflag:s1] =	ssyncset.done $0x0  }
0x5c: {  	[sflag:s1] =	ssyncadd.s32 $0xFFFFFF80  }
0x5d: {  	_ =	swait.ge [sflag:s1], $0x80  }
0x5e: {  	[sflag:s1] =	ssyncset.done $0x0  }
0x5f: {  	[sflag:s1] =	ssyncadd.s32 $0xFFFFFF80  }
0x60: {  	_ =	swait.ge [sflag:s1], $0x80  }
0x61: {  	[sflag:s1] =	ssyncset.done $0x0  }
0x62: {  	[sflag:s1] =	ssyncadd.s32 $0xFFFFFF80  }
0x63: {  	_ =	swait.ge [sflag:s1], $0x80  }
0x64: {  	[sflag:s1] =	ssyncset.done $0x0  }
0x65: {  	[sflag:s1] =	ssyncadd.s32 $0xFFFFFF80  }
0x66: {  	_ =	swait.ge [sflag:s1], $0x80  }
0x67: {  	s19 =	simm.s32 $0x400;
	s21 =	simm.s32 $0x80;
	[sflag:s1] =	ssyncset.done $0x0  }
.LBB2_2:
0x68: {  	s22 =	sadd.s32 $0xC00, s21  }
0x69: {  	s23 =	sadd.s32 $0x100, s21;
	[sflag:s1] =	ssyncadd.s32 $0xFFFFFF80;
	s20 =	smov.u32 s19  }
0x6a: {  	[tilespmem:s22], [sflag:$0x1] =	stream.indirect.gather [hbm4b:s3+s15], $0x1, s23, s15, $0xb8;
	[tilespmem:$0xBB00] =	vst v63  }
0x6b: {  	p0 =	sne.s32 s19, $0x2600;
	s19 =	sadd.s32 $0x200, s19;
	s22 =	sadd.s32 $0x1700, s21  }
0x6c: {  	[tilespmem:s22], [sflag:$0x1] =	stream.indirect.gather [hbm4b:s4+s15], $0x1, s23, s15, $0xb8;
	[tilespmem:$0xBB00] =	vst v63  }
0x6d: {  	s22 =	sadd.s32 $0x2200, s21  }
0x6e: {  	[tilespmem:s22], [sflag:$0x1] =	stream.indirect.gather [hbm4b:s5+s15], $0x1, s23, s15, $0xb8;
	[tilespmem:$0xBB00] =	vst v63  }
0x6f: {  	s22 =	sadd.s32 $0x2D00, s21  }
0x70: {  	[tilespmem:s22], [sflag:$0x1] =	stream.indirect.gather [hbm4b:s8+s15], $0x1, s23, s15, $0xb8;
	[tilespmem:$0xBB00] =	vst v63  }
0x71: {  	s22 =	sadd.s32 $0x3800, s21  }
0x72: {  	[tilespmem:s22], [sflag:$0x1] =	stream.indirect.gather [hbm4b:s6+s15], $0x1, s23, s15, $0xb8;
	[tilespmem:$0xBB00] =	vst v63  }
0x73: {  	s22 =	sadd.s32 $0x4300, s21  }
0x74: {  	[tilespmem:s22], [sflag:$0x1] =	stream.indirect.gather [hbm4b:s7+s15], $0x1, s23, s15, $0xb8;
	[tilespmem:$0xBB00] =	vst v63  }
0x75: {  	s22 =	sadd.s32 $0x4E00, s21  }
0x76: {  	[tilespmem:s22], [sflag:$0x1] =	stream.indirect.gather [hbm4b:s9+s15], $0x1, s23, s15, $0xb8;
	[tilespmem:$0xBB00] =	vst v63  }
0x77: {  	s21 =	sadd.s32 $0x5900, s21  }
0x78: {  	[tilespmem:s21], [sflag:$0x1] =	stream.indirect.gather [hbm4b:s10+s15], $0x1, s23, s15, $0xb8;
	[tilespmem:$0xBB00] =	vst v63  }
0x79: {  	_ =	swait.ge [sflag:s1], $0x80  }
0x7a: {  	[sflag:s1] =	ssyncset.done $0x0  }
0x7b: {  	[sflag:s1] =	ssyncadd.s32 $0xFFFFFF80  }
0x7c: {  	_ =	swait.ge [sflag:s1], $0x80  }
0x7d: {  	[sflag:s1] =	ssyncset.done $0x0  }
0x7e: {  	[sflag:s1] =	ssyncadd.s32 $0xFFFFFF80  }
0x7f: {  	_ =	swait.ge [sflag:s1], $0x80  }
0x80: {  	[sflag:s1] =	ssyncset.done $0x0  }
0x81: {  	[sflag:s1] =	ssyncadd.s32 $0xFFFFFF80  }
0x82: {  	_ =	swait.ge [sflag:s1], $0x80  }
0x83: {  	[sflag:s1] =	ssyncset.done $0x0  }
0x84: {  	[sflag:s1] =	ssyncadd.s32 $0xFFFFFF80  }
0x85: {  	_ =	swait.ge [sflag:s1], $0x80  }
0x86: {  	[sflag:s1] =	ssyncset.done $0x0  }
0x87: {  	[sflag:s1] =	ssyncadd.s32 $0xFFFFFF80  }
0x88: {  	_ =	swait.ge [sflag:s1], $0x80  }
0x89: {  	[sflag:s1] =	ssyncset.done $0x0  }
0x8a: {  	[sflag:s1] =	ssyncadd.s32 $0xFFFFFF80  }
.Ltmp0:
0x8b: {  	_ =	swait.ge [sflag:s1], $0x80;
	(pc) =	sbr.rel @p0 .LBB2_2-.Ltmp0, $4  }
0x8c: {  	[sflag:s1] =	ssyncset.done $0x0  }
0x8d: {  	[sflag:s1] =	ssyncadd.s32 $0xFFFFFF80  }
0x8e: {  	_ =	swait.ge [sflag:s1], $0x80  }
0x8f: {  	s21 =	sshra.s32 s20, $0x2;
	[sflag:s1] =	ssyncset.done $0x0  }
0x90: {  	s19 =	sadd.s32 $0xC00, s21;
	s20 =	sadd.s32 $0x100, s21;
	[sflag:s1] =	ssyncadd.s32 $0xFFFFFF80  }
0x91: {  	[tilespmem:s19], [sflag:$0x1] =	stream.indirect.gather [hbm4b:s3+s15], $0x1, s20, s15, $0xb8;
	[tilespmem:$0xBB00] =	vst v63  }
0x92: {  	s23 =	sadd.s32 $0x1700, s21  }
0x93: {  	[tilespmem:s23], [sflag:$0x1] =	stream.indirect.gather [hbm4b:s4+s15], $0x1, s20, s15, $0xb8;
	[tilespmem:$0xBB00] =	vst v63  }
0x94: {  	s22 =	sadd.s32 $0x2200, s21  }
0x95: {  	[tilespmem:s22], [sflag:$0x1] =	stream.indirect.gather [hbm4b:s5+s15], $0x1, s20, s15, $0xb8;
	[tilespmem:$0xBB00] =	vst v63  }
0x96: {  	s23 =	sadd.s32 $0x2D00, s21  }
0x97: {  	[tilespmem:s23], [sflag:$0x1] =	stream.indirect.gather [hbm4b:s8+s15], $0x1, s20, s15, $0xb8;
	[tilespmem:$0xBB00] =	vst v63  }
0x98: {  	s22 =	sadd.s32 $0x3800, s21  }
0x99: {  	[tilespmem:s22], [sflag:$0x1] =	stream.indirect.gather [hbm4b:s6+s15], $0x1, s20, s15, $0xb8;
	[tilespmem:$0xBB00] =	vst v63  }
0x9a: {  	s23 =	sadd.s32 $0x4300, s21  }
0x9b: {  	[tilespmem:s23], [sflag:$0x1] =	stream.indirect.gather [hbm4b:s7+s15], $0x1, s20, s15, $0xb8;
	[tilespmem:$0xBB00] =	vst v63  }
0x9c: {  	s22 =	sadd.s32 $0x4E00, s21  }
0x9d: {  	[tilespmem:s22], [sflag:$0x1] =	stream.indirect.gather [hbm4b:s9+s15], $0x1, s20, s15, $0xb8;
	[tilespmem:$0xBB00] =	vst v63  }
0x9e: {  	s23 =	sadd.s32 $0x5900, s21  }
0x9f: {  	[tilespmem:s23], [sflag:$0x1] =	stream.indirect.gather [hbm4b:s10+s15], $0x1, s20, s15, $0xb8;
	[tilespmem:$0xBB00] =	vst v63  }
0xa0: {  	_ =	swait.ge [sflag:s1], $0x80  }
0xa1: {  	[sflag:s1] =	ssyncset.done $0x0  }
0xa2: {  	[sflag:s1] =	ssyncadd.s32 $0xFFFFFF80  }
0xa3: {  	_ =	swait.ge [sflag:s1], $0x80  }
0xa4: {  	[sflag:s1] =	ssyncset.done $0x0  }
0xa5: {  	[sflag:s1] =	ssyncadd.s32 $0xFFFFFF80  }
0xa6: {  	_ =	swait.ge [sflag:s1], $0x80  }
0xa7: {  	[sflag:s1] =	ssyncset.done $0x0  }
0xa8: {  	[sflag:s1] =	ssyncadd.s32 $0xFFFFFF80  }
0xa9: {  	_ =	swait.ge [sflag:s1], $0x80  }
0xaa: {  	[sflag:s1] =	ssyncset.done $0x0  }
0xab: {  	[sflag:s1] =	ssyncadd.s32 $0xFFFFFF80  }
0xac: {  	_ =	swait.ge [sflag:s1], $0x80  }
0xad: {  	[sflag:s1] =	ssyncset.done $0x0  }
0xae: {  	[sflag:s1] =	ssyncadd.s32 $0xFFFFFF80  }
0xaf: {  	_ =	swait.ge [sflag:s1], $0x80  }
0xb0: {  	[sflag:s1] =	ssyncset.done $0x0  }
0xb1: {  	[sflag:s1] =	ssyncadd.s32 $0xFFFFFF80  }
0xb2: {  	_ =	swait.ge [sflag:s1], $0x80  }
0xb3: {  	[sflag:s1] =	ssyncset.done $0x0  }
0xb4: {  	[sflag:s1] =	ssyncadd.s32 $0xFFFFFF80  }
0xb5: {  	_ =	swait.ge [sflag:s1], $0x80  }
0xb6: {  	[sflag:s1] =	ssyncset.done $0x0  }
0xb7: {  	[sflag:s1] =	ssyncadd.s32 $0xFFFFFF80  }
0xb8: {  	_ =	swait.ge [sflag:s1], $0x80  }
0xb9: {  	[sflag:s1] =	ssyncset.done $0x0  }
0xba: {  	[sflag:s1] =	ssyncadd.s32 $0xFFFFFF80  }
0xbb: {  	_ =	swait.ge [sflag:s1], $0x80  }
0xbc: {  	[sflag:s1] =	ssyncset.done $0x0  }
0xbd: {  	[sflag:s1] =	ssyncadd.s32 $0xFFFFFF80  }
0xbe: {  	_ =	swait.ge [sflag:s1], $0x80  }
0xbf: {  	[sflag:s1] =	ssyncset.done $0x0  }
0xc0: {  	[sflag:s1] =	ssyncadd.s32 $0xFFFFFF80  }
0xc1: {  	_ =	swait.ge [sflag:s1], $0x80  }
0xc2: {  	[sflag:s1] =	ssyncset.done $0x0  }
0xc3: {  	[sflag:s1] =	ssyncadd.s32 $0xFFFFFF80  }
0xc4: {  	_ =	swait.ge [sflag:s1], $0x80  }
0xc5: {  	[sflag:s1] =	ssyncset.done $0x0  }
0xc6: {  	[sflag:s1] =	ssyncadd.s32 $0xFFFFFF80  }
0xc7: {  	_ =	swait.ge [sflag:s1], $0x80  }
0xc8: {  	[sflag:s1] =	ssyncset.done $0x0  }
0xc9: {  	[sflag:s1] =	ssyncadd.s32 $0xFFFFFF80  }
0xca: {  	_ =	swait.ge [sflag:s1], $0x80  }
0xcb: {  	[sflag:s1] =	ssyncset.done $0x0  }
0xcc: {  	[sflag:s1] =	ssyncadd.s32 $0xFFFFFF80  }
0xcd: {  	_ =	swait.ge [sflag:s1], $0x80  }
0xce: {  	[sflag:s1] =	ssyncset.done $0x0  }
0xcf: {  	[sflag:s1] =	ssyncadd.s32 $0xFFFFFF80  }
0xd0: {  	_ =	swait.ge [sflag:s1], $0x80  }
0xd1: {  	[sflag:s1] =	ssyncset.done $0x0  }
0xd2: {  	[sflag:s1] =	ssyncadd.s32 $0xFFFFFF80  }
0xd3: {  	_ =	swait.ge [sflag:s1], $0x80  }
0xd4: {  	[sflag:s1] =	ssyncset.done $0x0  }
0xd5: {  	[sflag:s1] =	ssyncadd.s32 $0xFFFFFF80  }
0xd6: {  	_ =	swait.ge [sflag:s1], $0x80  }
0xd7: {  	[sflag:s1] =	ssyncset.done $0x0  }
0xd8: {  	[sflag:s1] =	ssyncadd.s32 $0xFFFFFF80  }
0xd9: {  	_ =	swait.ge [sflag:s1], $0x80  }
0xda: {  	[sflag:s1] =	ssyncset.done $0x0  }
0xdb: {  	[sflag:s1] =	ssyncadd.s32 $0xFFFFFF80  }
0xdc: {  	_ =	swait.ge [sflag:s1], $0x80  }
0xdd: {  	[sflag:s1] =	ssyncset.done $0x0  }
0xde: {  	[sflag:s1] =	ssyncadd.s32 $0xFFFFFF80  }
0xdf: {  	_ =	swait.ge [sflag:s1], $0x80  }
0xe0: {  	[sflag:s1] =	ssyncset.done $0x0  }
0xe1: {  	[sflag:s1] =	ssyncadd.s32 $0xFFFFFF80  }
0xe2: {  	v9 =	vimm.s32 $0x0;
	_ =	swait.ge [sflag:s1], $0x80  }
0xe3: {  	v10 =	vadd.s32 v1, v9;
	[sflag:s1] =	ssyncset.done $0x0  }
0xe4: {  	[sflag:s1] =	ssyncadd.s32 $0xFFFFFF80  }
0xe5: {  	_ =	swait.ge [sflag:s1], $0x80  }
0xe6: {  	v11 =	vshll.u32 v9, $0x3;
	[sflag:s1] =	ssyncset.done $0x0  }
0xe7: {  	v12 =	vor.u32 v0, v11;
	[sflag:s1] =	ssyncadd.s32 $0xFFFFFF80  }
0xe8: {  	v12 =	vor.u32 v5, v12;
	v10 =	vld.idx.msk [tilespmem:v10+s16+$0x0], $0xffff  }
0xe9: {  	v13 =	vadd.s32 v6, v9;
	_ =	sdelay $0x3  }
0xea: {  	[tilespmem:v12+s17+$0x0] =	vst.idx.msk $0xffff, v10;
	v10 =	vor.u32 v4, v11  }
0xeb: {  	v12 =	vld.idx.msk [tilespmem:v13+s16+$0x0], $0xffff;
	v10 =	vor.u32 v5, v10  }
0xec: {  	v62 =	vadd.s32 v7, v9;
	_ =	sdelay $0x3  }
0xed: {  	[tilespmem:v10+s17+$0x0] =	vst.idx.msk $0xffff, v12;
	v10 =	vor.u32 v3, v11  }
0xee: {  	v12 =	vld.idx.msk [tilespmem:v62+s16+$0x0], $0xffff;
	v10 =	vor.u32 v5, v10  }
0xef: {  	v63 =	vadd.s32 v8, v9;
	_ =	sdelay $0x3  }
0xf0: {  	v11 =	vor.u32 v2, v11;
	[tilespmem:v10+s17+$0x0] =	vst.idx.msk $0xffff, v12  }
0xf1: {  	s19 =	simm.s32 $0x0;
	v9 =	vadd.s32 $0x8, v9;
	v11 =	vor.u32 v5, v11;
	v10 =	vld.idx.msk [tilespmem:v63+s16+$0x0], $0xffff  }
.LBB2_4:
0xf2: {  	v12 =	vadd.s32 v1, v9;
	s19 =	sadd.s32 $0x4, s19  }
0xf3: {  	p0 =	slt.u32 s19, $0x57C;
	_ =	sdelay $0x2  }
0xf4: {  	v13 =	vshll.u32 v9, $0x3;
	[tilespmem:v11+s17+$0x0] =	vst.idx.msk $0xffff, v10  }
0xf5: {  	v11 =	vor.u32 v0, v13;
	v10 =	vld.idx.msk [tilespmem:v12+s16+$0x0], $0xffff  }
0xf6: {  	v11 =	vor.u32 v5, v11  }
0xf7: {  	v12 =	vadd.s32 v6, v9;
	_ =	sdelay $0x3  }
0xf8: {  	[tilespmem:v11+s17+$0x0] =	vst.idx.msk $0xffff, v10  }
0xf9: {  	v11 =	vor.u32 v4, v13;
	v10 =	vld.idx.msk [tilespmem:v12+s16+$0x0], $0xffff  }
0xfa: {  	v11 =	vor.u32 v5, v11  }
0xfb: {  	v12 =	vadd.s32 v7, v9;
	_ =	sdelay $0x3  }
0xfc: {  	[tilespmem:v11+s17+$0x0] =	vst.idx.msk $0xffff, v10  }
0xfd: {  	v11 =	vor.u32 v3, v13;
	v10 =	vld.idx.msk [tilespmem:v12+s16+$0x0], $0xffff  }
0xfe: {  	v11 =	vor.u32 v5, v11  }
0xff: {  	v12 =	vadd.s32 v8, v9;
	_ =	sdelay $0x1  }
.Ltmp1:
0x100: {  	(pc) =	sbr.rel @p0 .LBB2_4-.Ltmp1, $4  }
0x101: {  	_ = 	snop  }
0x102: {  	[tilespmem:v11+s17+$0x0] =	vst.idx.msk $0xffff, v10  }
0x103: {  	v11 =	vor.u32 v2, v13;
	v10 =	vld.idx.msk [tilespmem:v12+s16+$0x0], $0xffff  }
0x104: {  	v9 =	vadd.s32 $0x8, v9;
	v11 =	vor.u32 v5, v11  }
0x105: {  	_ =	sdelay $0x1  }
0x106: {  	s18 =	sadd.s32 $0x1, s18  }
0x107: {  	p0 =	sne.s32 s18, s13  }
.Ltmp2:
0x108: {  	[tilespmem:v11+s17+$0x0] =	vst.idx.msk $0xffff, v10;
	(pc) =	sbr.rel @p0 .LBB2_1-.Ltmp2, $4  }
0x109: {  	[hbm4b:s12+s2] =	stream.linear.scatter [tilespmem:s17], [sflag:$0x2], $0x5800, $0x38;
	[tilespmem:$0xBB00] =	vst v63  }
0x10a: {  	_ =	swait.ge [sflag:s14], $0x5800  }
0x10b: {  	[sflag:s14] =	ssyncset.done $0x0  }
0x10c: {  	[sflag:s14] =	ssyncadd.s32 $0xFFFFA800  }
0x10d: {  	_ =	sfence.sel $0x180000  }
0x10e: {  	[bflag:$0x0] =	sbarrier.arrive $0xFFFF  }
0x10f: {  	_ =	strace $0x9000004A  }
0x110: {  	s0 =	stileid.u32;
	[bflag:$0x2] =	sbarrier.arrive $0xFFFF  }
0x111: {  	p0 =	sne.s32 s0, $0x0;
	s0 =	rddreg [dreg:$0x1]  }
0x112: {  	s0 =	sadd.s32 @!p0 $0x100000, s0  }
0x113: {  	[sflag:s0] =	ssyncadd.tile.s32 @!p0 $0x1;
	_ =	shalt  }
.Lfunc_end2:
_tile_overlayer_lowered:
.L_overlay_start_2:
0x114: {  	(tag) =	ssettag $0x2  }
0x115: {  	s0 =	rddreg [dreg:$0x0];
	s2 =	stileid.u32  }
0x116: {  	s1 =	rddreg [dreg:$0x1];
	p0 =	sne.s32 s2, $0x0  }
0x117: {  	s3 =	rddreg [dreg:$0x2];
	[bflag:$0x3] =	sbarrier.arrive $0xFFFF;
	s2 =	simm.s32 @!p0 $0x1C02  }
0x118: {  	[timem:s3], [sflag:s2] =	dma.local @!p0 [hbm:s0], s1  }
0x119: {  	s0 =	simm.s32 @!p0 $0x2  }
0x11a: {  	_ =	swait.ge @!p0 [sflag:s0], s1  }
0x11b: {  	s1 =	ssub.s32 @!p0 $0x0, s1;
	[sflag:s0] =	ssyncset.done @!p0 $0x0  }
0x11c: {  	[sflag:s0] =	ssyncadd.s32 @!p0 s1  }
0x11d: {  	[bflag:$0x3] =	sbarrier.arrive $0xFFFF  }
0x11e: {  	_ =	shalt  }

// kernel: kernel.7.cloned.1.call-start
scs
__scs_entry_jumppad:
0x0: {  	(pc) =	sbr.rel $0x88, $3  }
0x1: {  	(tag) =	ssettag $0x0;
	lr =	simm.s32 $0x1  }
0x2: {  	[smem:$0x3F96] =	sst lr;
	_ =	strace $0xD0000000  }
0x3: {  	_ = 	snop  }
0x4: {  	_ = 	snop  }
0x5: {  	_ = 	snop  }
0x6: {  	_ = 	snop  }
0x7: {  	_ = 	snop  }
__scs_overlays_trampoline_lowered:
0x8: {  	[smem:$0x3FA5] =	sst s0  }
0x9: {  	[smem:$0x3FA6] =	sst s1  }
0xa: {  	[smem:$0x3FA7] =	sst s2  }
0xb: {  	[smem:$0x3FA8] =	sst s3  }
0xc: {  	[smem:$0x3FA9] =	sst s4  }
0xd: {  	[smem:$0x3FAA] =	sst s5  }
0xe: {  	[smem:$0x3FAB] =	sst s6  }
0xf: {  	[smem:$0x3FAC] =	sst s7  }
0x10: {  	[smem:$0x3FAD] =	sst s8  }
0x11: {  	[smem:$0x3FAE] =	sst s9;
	s0 =	simm.s32 @!p0 $0x0  }
0x12: {  	s1 =	sld [smem:$0x3F94];
	s0 =	simm.s32 @p0 $0x1  }
0x13: {  	[smem:$0x3FAF] =	sst s0;
	s0 =	simm.s32 @!p1 $0x0  }
0x14: {  	s2 =	sld [smem:$0x3F93];
	s0 =	simm.s32 @p1 $0x1  }
0x15: {  	[smem:$0x3FB0] =	sst s0;
	s0 =	simm.s32 @!p2 $0x0  }
0x16: {  	s3 =	sld [smem:$0x3FDB];
	s0 =	simm.s32 @p2 $0x1  }
0x17: {  	s4 =	simm.s32 $0x1BF5;
	[smem:$0x3FB2] =	sst s0  }
0x18: {  	s0 =	sld [smem:$0x3F95];
	_ =	swait.ge [sflag:s4], $0x0  }
0x19: {  	s7 =	sld [smem:$0x3F96]  }
0x1a: {  	s8 =	sadd.s32 $0xFFFFE003, lr  }
0x1b: {  	s9 =	sadd.s32 $0xFFFFFEF7, lr;
	s5 =	simm.s32 $0xFFFFFFFF;
	p2 =	slt.u32 s8, $0xFFFFF086  }
0x1c: {  	p1 =	slt.u32 s9, $0xF7A;
	s5 =	simm.s32 @!p2 $0x0  }
0x1d: {  	s5 =	simm.s32 @p1 $0x1;
	p0 =	seq.s32 s7, s2  }
0x1e: {  	s7 =	smul.u32 @!p0 $0xF7A, s2;
	p2 =	seq.s32 @!p0 s5, $0x0  }
0x1f: {  	s9 =	smul.u32 $0xF7A, s1;
	s8 =	simm.s32 @!p0 $0x1BF5;
	p2 =	por !p2, p0  }
0x20: {  	[sflag:s8] =	ssyncset.s32 @!p0 $0xFFFFF086;
	s6 =	sadd.s32 @!p0 s3, s7;
	s7 =	simm.s32 @!p0 $0x108  }
0x21: {  	s3 =	sadd.s32 s3, s9;
	s6 =	sadd.s32 @!p0 $0x88, s6;
	s7 =	simm.s32 @p2 $0x1082  }
0x22: {  	[simem:s7], [sflag:s8] =	dma.local @!p0 [hbm:s6], $0xF7A  }
0x23: {  	s9 =	sor.u32 $0xD0000000, s2;
	s6 =	simm.s32 $0x108;
	_ =	swait.ge @!p0 [sflag:s8], $0x0  }
0x24: {  	s3 =	sadd.s32 $0x88, s3;
	s6 =	simm.s32 @!p1 $0x1082;
	[sflag:s4] =	ssyncset.s32 $0xFFFFF086  }
0x25: {  	[simem:s6], [sflag:s4] =	dma.local [hbm:s3], $0xF7A  }
0x26: {  	[smem:$0x3F96] =	sst s1;
	(tag) =	ssettag s2;
	_ =	strace s9  }
0x27: {  	s1 =	sld [smem:$0x3FA6]  }
0x28: {  	s2 =	sld [smem:$0x3FA7]  }
0x29: {  	s4 =	sld [smem:$0x3FA9]  }
0x2a: {  	p0 =	seq.s32 s5, $0x0;
	s5 =	sld [smem:$0x3FAA]  }
0x2b: {  	s6 =	sld [smem:$0x3FAB]  }
0x2c: {  	s7 =	sld [smem:$0x3FAC]  }
0x2d: {  	s3 =	simm.s32 $0x108;
	s8 =	sld [smem:$0x3FAD]  }
0x2e: {  	s3 =	simm.s32 @!p0 $0x1082;
	s9 =	sld [smem:$0x3FAE]  }
0x2f: {  	lr =	sadd.s32 s0, s3;
	s0 =	sld [smem:$0x3FA5]  }
0x30: {  	s3 =	sld [smem:$0x3FA8]  }
0x31: {  	[smem:$0x3FB1] =	sst s10  }
0x32: {  	s10 =	sld [smem:$0x3FAF];
	_ =	sdelay $0x3  }
0x33: {  	p0 =	seq.s32 s10, $0x1;
	s10 =	sld [smem:$0x3FB1];
	_ =	sdelay $0x3  }
0x34: {  	[smem:$0x3FB1] =	sst s10  }
0x35: {  	s10 =	sld [smem:$0x3FB0];
	_ =	sdelay $0x3  }
0x36: {  	p1 =	seq.s32 s10, $0x1;
	s10 =	sld [smem:$0x3FB1];
	_ =	sdelay $0x3  }
0x37: {  	[smem:$0x3FB1] =	sst s10  }
0x38: {  	s10 =	sld [smem:$0x3FB2]  }
0x39: {  	_ = 	snop;
	(pc) =	sbr.ind lr, $3  }
0x3a: {  	_ = 	snop  }
0x3b: {  	_ = 	snop  }
0x3c: {  	p2 =	seq.s32 s10, $0x1;
	s10 =	sld [smem:$0x3FB1]  }
0x3d: {  	_ =	shalt  }
0x3e: {  	_ =	shalt  }
0x3f: {  	_ =	shalt  }
0x40: {  	_ =	shalt  }
0x41: {  	_ =	shalt  }
0x42: {  	_ =	shalt  }
0x43: {  	_ =	shalt  }
0x44: {  	_ =	shalt  }
0x45: {  	_ =	shalt  }
0x46: {  	_ =	shalt  }
0x47: {  	_ =	shalt  }
0x48: {  	_ =	shalt  }
0x49: {  	_ =	shalt  }
0x4a: {  	_ =	shalt  }
0x4b: {  	_ =	shalt  }
0x4c: {  	_ =	shalt  }
0x4d: {  	_ =	shalt  }
0x4e: {  	_ =	shalt  }
0x4f: {  	_ =	shalt  }
0x50: {  	_ =	shalt  }
0x51: {  	_ =	shalt  }
0x52: {  	_ =	shalt  }
0x53: {  	_ =	shalt  }
0x54: {  	_ =	shalt  }
0x55: {  	_ =	shalt  }
0x56: {  	_ =	shalt  }
0x57: {  	_ =	shalt  }
0x58: {  	_ =	shalt  }
0x59: {  	_ =	shalt  }
0x5a: {  	_ =	shalt  }
0x5b: {  	_ =	shalt  }
0x5c: {  	_ =	shalt  }
0x5d: {  	_ =	shalt  }
0x5e: {  	_ =	shalt  }
0x5f: {  	_ =	shalt  }
0x60: {  	_ =	shalt  }
0x61: {  	_ =	shalt  }
0x62: {  	_ =	shalt  }
0x63: {  	_ =	shalt  }
0x64: {  	_ =	shalt  }
0x65: {  	_ =	shalt  }
0x66: {  	_ =	shalt  }
0x67: {  	_ =	shalt  }
0x68: {  	_ =	shalt  }
0x69: {  	_ =	shalt  }
0x6a: {  	_ =	shalt  }
0x6b: {  	_ =	shalt  }
0x6c: {  	_ =	shalt  }
0x6d: {  	_ =	shalt  }
0x6e: {  	_ =	shalt  }
0x6f: {  	_ =	shalt  }
0x70: {  	_ =	shalt  }
0x71: {  	_ =	shalt  }
0x72: {  	_ =	shalt  }
0x73: {  	_ =	shalt  }
0x74: {  	_ =	shalt  }
0x75: {  	_ =	shalt  }
0x76: {  	_ =	shalt  }
0x77: {  	_ =	shalt  }
0x78: {  	_ =	shalt  }
0x79: {  	_ =	shalt  }
0x7a: {  	_ =	shalt  }
0x7b: {  	_ =	shalt  }
0x7c: {  	_ =	shalt  }
0x7d: {  	_ =	shalt  }
0x7e: {  	_ =	shalt  }
0x7f: {  	_ =	shalt  }
0x80: {  	_ =	shalt  }
0x81: {  	_ =	shalt  }
0x82: {  	_ =	shalt  }
0x83: {  	_ =	shalt  }
0x84: {  	_ =	shalt  }
0x85: {  	_ =	shalt  }
0x86: {  	_ =	shalt  }
0x87: {  	_ =	shalt  }
.Lfunc_end0:
.L_simem_size_0:
called_computation_lowered:
.L_overlay_start_0:
0x88: {  	s2 =	sld [smem:$0x3FD9]  }
0x89: {  	s3 =	sld [smem:$0x3FFE];
	_ =	sdelay $0x1  }
0x8a: {  	s1 =	srdreg.scid  }
0x8b: {  	s0 =	sand.u32 $0x1, s1  }
0x8c: {  	s17 =	sshll.u32 s0, $0xA;
	s2 =	sadd.s32 s3, s2  }
0x8d: {  	s2 =	sadd.s32 s2, s17  }
0x8e: {  	[smem:$0x3FBD] =	sst s2  }
0x8f: {  	_ = 	snop  }
0x90: {  	s2 =	sld [smem:$0x3FC6];
	(tm) =	ssettm $0x1  }
0x91: {  	s18 =	sld [smem:$0x3FFB];
	_ =	sdelay $0x3  }
0x92: {  	_ =	strace s18  }
0x93: {  	s3 =	sld [smem:$0x3FFC];
	_ =	sdelay $0x3  }
0x94: {  	_ =	strace s3  }
0x95: {  	s3 =	sld [smem:$0x3FFD];
	_ =	sdelay $0x3  }
0x96: {  	_ =	strace s3  }
0x97: {  	_ =	strace $0x8FFFFFFF  }
0x98: {  	s19 =	sld [smem:$0x3FDB];
	_ =	sdelay $0x1  }
0x99: {  	s4 =	simm.s32 $_scs_section_size  }
0x9a: {  	s5 =	simm.s32 $_size__tile_overlayer_lowered;
	s6 =	simm.s32 $_tile_overlayer_lowered  }
0x9b: {  	s22 =	simm.s32 $0x1BFF;
	s21 =	sshll.u32 s6, $0x1;
	s3 =	sadd.s32 s4, s19  }
0x9c: {  	s7 =	simm.s32 $0x0;
	s20 =	sshll.u32 s5, $0x1;
	s5 =	sadd.s32 s21, s3  }
0x9d: {  	[timem:s7], [sflag:s22] =	dma.local [hbm:s5], s20  }
0x9e: {  	_ =	swait.ge [sflag:s22], s20  }
0x9f: {  	s4 =	ssub.s32 $0x0, s20;
	[sflag:s22] =	ssyncset.done $0x0  }
0xa0: {  	[sflag:s22] =	ssyncadd.s32 s4;
	_ =	sdelay $0x1  }
0xa1: {  	s23 =	simm.s32 $0x1B8B  }
0xa2: {  	_ =	swait.ge [sflag:s23], $0x1  }
0xa3: {  	[sflag:s23] =	ssyncset.done $0x0  }
0xa4: {  	s25 =	simm.s32 $0x1B8E;
	s24 =	sld [smem:$0x3FFE];
	[sflag:s23] =	ssyncadd.s32 $0xFFFFFFFF  }
0xa5: {  	s26 =	simm.s32 $execute0_lowered;
	[smem:$0x3FD2] =	sst s25  }
0xa6: {  	s5 =	sshll.u32 s26, $0x1;
	_ =	strace $0x80000046;
	[dreg:$0x1] =	wrdreg $0xFFFFFFFF  }
0xa7: {  	s28 =	simm.s32 $_size_execute0_lowered;
	s3 =	sadd.s32 s3, s5;
	[dreg:$0x0] =	wrdreg $0x0  }
0xa8: {  	s5 =	sshll.u32 s28, $0x1;
	[dreg:$0x2] =	wrdreg s3  }
0xa9: {  	[dreg:$0x3] =	wrdreg s5  }
0xaa: {  	[dreg:$0x4] =	wrdreg $0xC0  }
0xab: {  	_ =	task [dreg:s7], $0x5FFFF  }
0xac: {  	[dreg:$0x1] =	wrdreg $0xFFFFFFFF  }
0xad: {  	[dreg:$0x0] =	wrdreg $0x60  }
0xae: {  	[dreg:$0x2] =	wrdreg s24  }
0xaf: {  	[dreg:$0x3] =	wrdreg s2  }
0xb0: {  	[dreg:$0x4] =	wrdreg $0x9  }
0xb1: {  	_ =	task.clear_ibuf [dreg:s7], $0x5FFFF;
	_ =	strace $0x90000046  }
0xb2: {  	s29 =	simm.s32 $0x9;
	_ =	strace $0x80000048  }
0xb3: {  	_ =	swait.ge [sflag:s29], $0x1  }
0xb4: {  	[sflag:s29] =	ssyncadd.s32 $0xFFFFFFFF  }
0xb5: {  	_ =	strace $0x90000048  }
0xb6: {  	_ =	sfence  }
0xb7: {  	s30 =	sld [smem:$0x0];
	_ =	sdelay $0x2  }
0xb8: {  	s31 =	sshll.u32 s1, $0xD;
	s1 =	sshrl.u32 s1, $0x2  }
0xb9: {  	s3 =	sand.u32 $0x4000, s31;
	s1 =	sadd.s32 s1, s30  }
0xba: {  	s0 =	sor.u32 s3, s0;
	s1 =	sshll.u32 s1, $0x11  }
0xbb: {  	s0 =	sor.u32 s1, s0  }
0xbc: {  	s0 =	sadd.s32 $0x8F2B, s0  }
0xbd: {  	[sflag:s0] =	ssyncadd.remote.s32 $0x1  }
0xbe: {  	_ =	sfence.sel $0xFFFF  }
0xbf: {  	[dreg:$0x0] =	wrdreg $0xFFFFFFFF;
	(pc) =	sbr.abs _section_cstart, $3  }
0xc0: {  	[dreg:$0x1] =	wrdreg $0xFFFFFFFF  }
0xc1: {  	_ =	task.clear_ibuf [dreg:s7], $0x2FFFF;
	_ =	strace $0x9FFFFFFF  }
0xc2: {  	(tm) =	ssettm $0x7FFFFFFF  }
0xc3: {  	_ =	shalt  }
tec
execute0_lowered:
.L_overlay_start_1:
0x0: {  	(tag) =	ssettag $0x1  }
0x1: {  	v0 =	vimm.s32 $0x4D01;
	vm14 =	vcmask $0x300  }
0x2: {  	vm13 =	vcmask $0x704;
	vm12 =	vcmask $0xB08;
	vm11 =	vcmask $0xF0C  }
0x3: {  	vm10 =	vcmask $0x1310;
	vm9 =	vcmask $0x1714;
	vm8 =	vcmask $0x1B18  }
0x4: {  	vm7 =	vcmask $0x1F1C;
	vm6 =	vcmask $0x2320;
	vm5 =	vcmask $0x2724  }
0x5: {  	vm4 =	vcmask $0x2B28;
	vm3 =	vcmask $0x2F2C;
	v5 =	vlaneseq.u32  }
0x6: {  	vm2 =	vcmask $0x3330;
	vm1 =	vcmask $0x3734;
	vm0 =	vcmask $0x3B38  }
0x7: {  	v6 =	vimm.s32 $0x4D03;
	v7 =	vimm.s32 $0x4D05;
	v8 =	vimm.s32 $0x4D07  }
0x8: {  	v0 =	vsel vm14, $0x0, v0;
	v1 =	vshrl.u32 v5, $0x3;
	v5 =	vand.u32 $0x7, v5  }
0x9: {  	v6 =	vsel vm14, $0x2, v6;
	v7 =	vsel vm14, $0x4, v7;
	v8 =	vsel vm14, $0x6, v8  }
0xa: {  	v0 =	vsel vm13, $0xB00, v0;
	v6 =	vsel vm13, $0xB02, v6;
	v7 =	vsel vm13, $0xB04, v7  }
0xb: {  	v8 =	vsel vm13, $0xB06, v8;
	v0 =	vsel vm12, $0x1600, v0;
	v6 =	vsel vm12, $0x1602, v6  }
0xc: {  	v7 =	vsel vm12, $0x1604, v7;
	v8 =	vsel vm12, $0x1606, v8;
	v0 =	vsel vm11, $0x2100, v0  }
0xd: {  	v6 =	vsel vm11, $0x2102, v6;
	v7 =	vsel vm11, $0x2104, v7;
	v8 =	vsel vm11, $0x2106, v8  }
0xe: {  	v0 =	vsel vm10, $0x2C00, v0;
	v6 =	vsel vm10, $0x2C02, v6;
	v7 =	vsel vm10, $0x2C04, v7  }
0xf: {  	s0 =	rddreg [dreg:$0x0];
	v8 =	vsel vm10, $0x2C06, v8;
	v0 =	vsel vm9, $0x3700, v0;
	v6 =	vsel vm9, $0x3702, v6  }
0x10: {  	s1 =	rddreg [dreg:$0x1];
	v7 =	vsel vm9, $0x3704, v7;
	v8 =	vsel vm9, $0x3706, v8;
	v0 =	vsel vm8, $0x4200, v0  }
0x11: {  	s2 =	simm.s32 $0x0;
	s3 =	srdreg.scid;
	s6 =	stileid.u32;
	v6 =	vsel vm8, $0x4202, v6;
	v7 =	vsel vm8, $0x4204, v7;
	v8 =	vsel vm8, $0x4206, v8  }
0x12: {  	s16 =	simm.s32 $0x3;
	s17 =	simm.s32 $0x80;
	s18 =	simm.s32 $0xBB00;
	v0 =	vsel vm7, $0x4D00, v0;
	v6 =	vsel vm7, $0x4D02, v6;
	v7 =	vsel vm7, $0x4D04, v7  }
0x13: {  	s19 =	simm.s32 $0xB00;
	s20 =	simm.s32 $0x4280;
	s21 =	simm.s32 $0x4D80;
	v8 =	vsel vm7, $0x4D06, v8;
	v0 =	vsel vm6, $0x1, v0;
	v6 =	vsel vm6, $0x3, v6  }
0x14: {  	s22 =	simm.s32 $0x5880;
	s23 =	simm.s32 $0x2;
	s24 =	simm.s32 $0x1;
	v7 =	vsel vm6, $0x5, v7;
	v8 =	vsel vm6, $0x7, v8;
	v0 =	vsel vm5, $0xB01, v0  }
0x15: {  	s25 =	simm.s32 $0x6300;
	[smem:$0x7FF] =	sst s2;
	s4 =	sadd.s32 $0x62000, s0;
	v6 =	vsel vm5, $0xB03, v6;
	v7 =	vsel vm5, $0xB05, v7;
	v8 =	vsel vm5, $0xB07, v8  }
0x16: {  	s5 =	sadd.s32 $0x80C00, s0;
	s3 =	sand.u32 $0x1, s3;
	s8 =	sshll.u32 s6, $0x1;
	v0 =	vsel vm4, $0x1601, v0;
	v6 =	vsel vm4, $0x1603, v6;
	v7 =	vsel vm4, $0x1605, v7  }
0x17: {  	s6 =	sadd.s32 $0x9F800, s0;
	s7 =	sadd.s32 $0xBE400, s0;
	s11 =	sor.u32 s3, s8;
	v8 =	vsel vm4, $0x1607, v8;
	v0 =	vsel vm3, $0x2101, v0;
	v6 =	vsel vm3, $0x2103, v6  }
0x18: {  	s9 =	sadd.s32 $0x5C00, s0;
	s10 =	sadd.s32 $0x24800, s0;
	s12 =	smul.u32 $0x160, s11;
	v7 =	vsel vm3, $0x2105, v7;
	v8 =	vsel vm3, $0x2107, v8;
	v2 =	vsel vm2, $0x2C01, v0  }
0x19: {  	_ =	strace $0x80000047;
	s3 =	ssub.s32 $0x2, s3;
	s13 =	smul.u32 $0xB00, s11;
	v0 =	vmul.u32 $0x8, v1;
	v6 =	vsel vm2, $0x2C03, v6;
	v7 =	vsel vm2, $0x2C05, v7  }
0x1a: {  	s8 =	sadd.s32 $0xDD000, s0;
	s11 =	sadd.s32 $0x43400, s0;
	s31 =	sshrl.u32 s3, $0x1;
	v8 =	vsel vm2, $0x2C07, v8;
	v1 =	vsel vm1, $0x3701, v2;
	v6 =	vsel vm1, $0x3703, v6  }
0x1b: {  	s3 =	ssub.s32 s3, s31;
	s14 =	sadd.s32 s12, s0;
	s0 =	sadd.s32 s13, s0;
	v7 =	vsel vm1, $0x3705, v7;
	v8 =	vsel vm1, $0x3707, v8;
	v1 =	vsel vm0, $0x4201, v1  }
0x1c: {  	s15 =	smax.u32 s3, $0x1;
	s3 =	simm.s32 $0x3780;
	s12 =	sadd.s32 $0x3000, s14;
	v2 =	vor.u32 $0x30, v0;
	v3 =	vor.u32 $0x20, v0;
	v4 =	vor.u32 $0x10, v0  }
0x1d: {  	s26 =	simm.s32 $0x0;
	s13 =	sadd.s32 $0xFBC00, s0;
	s14 =	sadd.s32 $0x111C00, s14;
	v6 =	vsel vm0, $0x4203, v6;
	v7 =	vsel vm0, $0x4205, v7;
	v8 =	vsel vm0, $0x4207, v8  }
.LBB2_1:
0x1e: {  	[tilespmem:s2], [sflag:$0x3] =	stream.linear.gather [hbm4b:s12+s2], $0xB00, $0x38;
	[tilespmem:$0xC600] =	vst v63  }
0x1f: {  	_ =	swait.ge [sflag:s16], $0xB00  }
0x20: {  	[sflag:s16] =	ssyncset.done $0x0  }
0x21: {  	[sflag:s16] =	ssyncadd.s32 $0xFFFFF500  }
0x22: {  	[tilespmem:s18], [sflag:$0x2] =	stream.indirect.gather [hbm4b:s1+s17], $0x1, s2, s17, $0xb8;
	[tilespmem:$0xC600] =	vst v63  }
0x23: {  	_ = 	snop  }
0x24: {  	[tilespmem:s19], [sflag:$0x1] =	stream.indirect.gather [hbm4b:s4+s17], $0x1, s2, s17, $0xb8;
	[tilespmem:$0xC600] =	vst v63  }
0x25: {  	s0 =	simm.s32 $0x1600  }
0x26: {  	[tilespmem:s0], [sflag:$0x1] =	stream.indirect.gather [hbm4b:s5+s17], $0x1, s2, s17, $0xb8;
	[tilespmem:$0xC600] =	vst v63  }
0x27: {  	s31 =	simm.s32 $0x2100  }
0x28: {  	[tilespmem:s31], [sflag:$0x1] =	stream.indirect.gather [hbm4b:s6+s17], $0x1, s2, s17, $0xb8;
	[tilespmem:$0xC600] =	vst v63  }
0x29: {  	s29 =	simm.s32 $0x2C00  }
0x2a: {  	[tilespmem:s29], [sflag:$0x1] =	stream.indirect.gather [hbm4b:s7+s17], $0x1, s2, s17, $0xb8;
	[tilespmem:$0xC600] =	vst v63  }
0x2b: {  	s31 =	simm.s32 $0x3700  }
0x2c: {  	[tilespmem:s31], [sflag:$0x1] =	stream.indirect.gather [hbm4b:s8+s17], $0x1, s2, s17, $0xb8;
	[tilespmem:$0xC600] =	vst v63  }
0x2d: {  	s29 =	simm.s32 $0x4200  }
0x2e: {  	[tilespmem:s29], [sflag:$0x1] =	stream.indirect.gather [hbm4b:s9+s17], $0x1, s2, s17, $0xb8;
	[tilespmem:$0xC600] =	vst v63  }
0x2f: {  	s31 =	simm.s32 $0x4D00  }
0x30: {  	[tilespmem:s31], [sflag:$0x1] =	stream.indirect.gather [hbm4b:s10+s17], $0x1, s2, s17, $0xb8;
	[tilespmem:$0xC600] =	vst v63  }
0x31: {  	s29 =	simm.s32 $0x5800  }
0x32: {  	[tilespmem:s29], [sflag:$0x1] =	stream.indirect.gather [hbm4b:s11+s17], $0x1, s2, s17, $0xb8;
	[tilespmem:$0xC600] =	vst v63  }
0x33: {  	s31 =	simm.s32 $0xBB80  }
0x34: {  	[tilespmem:s31], [sflag:$0x2] =	stream.indirect.gather [hbm4b:s1+s17], $0x1, s17, s17, $0xb8;
	[tilespmem:$0xC600] =	vst v63  }
0x35: {  	s29 =	simm.s32 $0xB80  }
0x36: {  	[tilespmem:s29], [sflag:$0x1] =	stream.indirect.gather [hbm4b:s4+s17], $0x1, s17, s17, $0xb8;
	[tilespmem:$0xC600] =	vst v63  }
0x37: {  	s31 =	simm.s32 $0x1680  }
0x38: {  	[tilespmem:s31], [sflag:$0x1] =	stream.indirect.gather [hbm4b:s5+s17], $0x1, s17, s17, $0xb8;
	[tilespmem:$0xC600] =	vst v63  }
0x39: {  	s29 =	simm.s32 $0x2180  }
0x3a: {  	[tilespmem:s29], [sflag:$0x1] =	stream.indirect.gather [hbm4b:s6+s17], $0x1, s17, s17, $0xb8;
	[tilespmem:$0xC600] =	vst v63  }
0x3b: {  	s31 =	simm.s32 $0x2C80  }
0x3c: {  	[tilespmem:s31], [sflag:$0x1] =	stream.indirect.gather [hbm4b:s7+s17], $0x1, s17, s17, $0xb8;
	[tilespmem:$0xC600] =	vst v63  }
0x3d: {  	_ = 	snop  }
0x3e: {  	[tilespmem:s3], [sflag:$0x1] =	stream.indirect.gather [hbm4b:s8+s17], $0x1, s17, s17, $0xb8;
	[tilespmem:$0xC600] =	vst v63  }
0x3f: {  	_ = 	snop  }
0x40: {  	[tilespmem:s20], [sflag:$0x1] =	stream.indirect.gather [hbm4b:s9+s17], $0x1, s17, s17, $0xb8;
	[tilespmem:$0xC600] =	vst v63  }
0x41: {  	_ = 	snop  }
0x42: {  	[tilespmem:s21], [sflag:$0x1] =	stream.indirect.gather [hbm4b:s10+s17], $0x1, s17, s17, $0xb8;
	[tilespmem:$0xC600] =	vst v63  }
0x43: {  	_ = 	snop  }
0x44: {  	[tilespmem:s22], [sflag:$0x1] =	stream.indirect.gather [hbm4b:s11+s17], $0x1, s17, s17, $0xb8;
	[tilespmem:$0xC600] =	vst v63  }
0x45: {  	s28 =	simm.s32 $0xBC00;
	s29 =	simm.s32 $0x100  }
0x46: {  	[tilespmem:s28], [sflag:$0x2] =	stream.indirect.gather [hbm4b:s1+s17], $0x1, s29, s17, $0xb8;
	[tilespmem:$0xC600] =	vst v63  }
0x47: {  	s28 =	simm.s32 $0xC00  }
0x48: {  	[tilespmem:s28], [sflag:$0x1] =	stream.indirect.gather [hbm4b:s4+s17], $0x1, s29, s17, $0xb8;
	[tilespmem:$0xC600] =	vst v63  }
0x49: {  	s28 =	simm.s32 $0x1700  }
0x4a: {  	[tilespmem:s28], [sflag:$0x1] =	stream.indirect.gather [hbm4b:s5+s17], $0x1, s29, s17, $0xb8;
	[tilespmem:$0xC600] =	vst v63  }
0x4b: {  	s28 =	simm.s32 $0x2200  }
0x4c: {  	[tilespmem:s28], [sflag:$0x1] =	stream.indirect.gather [hbm4b:s6+s17], $0x1, s29, s17, $0xb8;
	[tilespmem:$0xC600] =	vst v63  }
0x4d: {  	s28 =	simm.s32 $0x2D00  }
0x4e: {  	[tilespmem:s28], [sflag:$0x1] =	stream.indirect.gather [hbm4b:s7+s17], $0x1, s29, s17, $0xb8;
	[tilespmem:$0xC600] =	vst v63  }
0x4f: {  	s28 =	simm.s32 $0x3800  }
0x50: {  	[tilespmem:s28], [sflag:$0x1] =	stream.indirect.gather [hbm4b:s8+s17], $0x1, s29, s17, $0xb8;
	[tilespmem:$0xC600] =	vst v63  }
0x51: {  	s28 =	simm.s32 $0x4300  }
0x52: {  	[tilespmem:s28], [sflag:$0x1] =	stream.indirect.gather [hbm4b:s9+s17], $0x1, s29, s17, $0xb8;
	[tilespmem:$0xC600] =	vst v63  }
0x53: {  	s28 =	simm.s32 $0x4E00  }
0x54: {  	[tilespmem:s28], [sflag:$0x1] =	stream.indirect.gather [hbm4b:s10+s17], $0x1, s29, s17, $0xb8;
	[tilespmem:$0xC600] =	vst v63  }
0x55: {  	s28 =	simm.s32 $0x5900  }
0x56: {  	[tilespmem:s28], [sflag:$0x1] =	stream.indirect.gather [hbm4b:s11+s17], $0x1, s29, s17, $0xb8;
	[tilespmem:$0xC600] =	vst v63  }
0x57: {  	_ =	swait.ge [sflag:s23], $0x80  }
0x58: {  	[sflag:s23] =	ssyncset.done $0x0  }
0x59: {  	[sflag:s23] =	ssyncadd.s32 $0xFFFFFF80  }
0x5a: {  	_ =	swait.ge [sflag:s24], $0x80  }
0x5b: {  	[sflag:s24] =	ssyncset.done $0x0  }
0x5c: {  	[sflag:s24] =	ssyncadd.s32 $0xFFFFFF80  }
0x5d: {  	_ =	swait.ge [sflag:s24], $0x80  }
0x5e: {  	[sflag:s24] =	ssyncset.done $0x0  }
0x5f: {  	[sflag:s24] =	ssyncadd.s32 $0xFFFFFF80  }
0x60: {  	_ =	swait.ge [sflag:s24], $0x80  }
0x61: {  	[sflag:s24] =	ssyncset.done $0x0  }
0x62: {  	[sflag:s24] =	ssyncadd.s32 $0xFFFFFF80  }
0x63: {  	_ =	swait.ge [sflag:s24], $0x80  }
0x64: {  	[sflag:s24] =	ssyncset.done $0x0  }
0x65: {  	[sflag:s24] =	ssyncadd.s32 $0xFFFFFF80  }
0x66: {  	_ =	swait.ge [sflag:s24], $0x80  }
0x67: {  	[sflag:s24] =	ssyncset.done $0x0  }
0x68: {  	[sflag:s24] =	ssyncadd.s32 $0xFFFFFF80  }
0x69: {  	_ =	swait.ge [sflag:s24], $0x80  }
0x6a: {  	[sflag:s24] =	ssyncset.done $0x0  }
0x6b: {  	[sflag:s24] =	ssyncadd.s32 $0xFFFFFF80  }
0x6c: {  	_ =	swait.ge [sflag:s24], $0x80  }
0x6d: {  	[sflag:s24] =	ssyncset.done $0x0  }
0x6e: {  	[sflag:s24] =	ssyncadd.s32 $0xFFFFFF80  }
0x6f: {  	_ =	swait.ge [sflag:s24], $0x80  }
0x70: {  	s30 =	simm.s32 $0x80;
	s28 =	simm.s32 $0x400;
	[sflag:s24] =	ssyncset.done $0x0  }
.LBB2_2:
0x71: {  	s31 =	sadd.s32 $0xBC00, s30  }
0x72: {  	s0 =	sadd.s32 $0x100, s30;
	[sflag:s24] =	ssyncadd.s32 $0xFFFFFF80;
	s29 =	smov.u32 s28  }
0x73: {  	[tilespmem:s31], [sflag:$0x2] =	stream.indirect.gather [hbm4b:s1+s17], $0x1, s0, s17, $0xb8;
	[tilespmem:$0xC600] =	vst v63  }
0x74: {  	p0 =	sne.s32 s28, $0x2600;
	s28 =	sadd.s32 $0x200, s28;
	s31 =	sadd.s32 $0xC00, s30  }
0x75: {  	[tilespmem:s31], [sflag:$0x1] =	stream.indirect.gather [hbm4b:s4+s17], $0x1, s0, s17, $0xb8;
	[tilespmem:$0xC600] =	vst v63  }
0x76: {  	s31 =	sadd.s32 $0x1700, s30  }
0x77: {  	[tilespmem:s31], [sflag:$0x1] =	stream.indirect.gather [hbm4b:s5+s17], $0x1, s0, s17, $0xb8;
	[tilespmem:$0xC600] =	vst v63  }
0x78: {  	s31 =	sadd.s32 $0x2200, s30  }
0x79: {  	[tilespmem:s31], [sflag:$0x1] =	stream.indirect.gather [hbm4b:s6+s17], $0x1, s0, s17, $0xb8;
	[tilespmem:$0xC600] =	vst v63  }
0x7a: {  	s31 =	sadd.s32 $0x2D00, s30  }
0x7b: {  	[tilespmem:s31], [sflag:$0x1] =	stream.indirect.gather [hbm4b:s7+s17], $0x1, s0, s17, $0xb8;
	[tilespmem:$0xC600] =	vst v63  }
0x7c: {  	s31 =	sadd.s32 $0x3800, s30  }
0x7d: {  	[tilespmem:s31], [sflag:$0x1] =	stream.indirect.gather [hbm4b:s8+s17], $0x1, s0, s17, $0xb8;
	[tilespmem:$0xC600] =	vst v63  }
0x7e: {  	s31 =	sadd.s32 $0x4300, s30  }
0x7f: {  	[tilespmem:s31], [sflag:$0x1] =	stream.indirect.gather [hbm4b:s9+s17], $0x1, s0, s17, $0xb8;
	[tilespmem:$0xC600] =	vst v63  }
0x80: {  	s31 =	sadd.s32 $0x4E00, s30  }
0x81: {  	[tilespmem:s31], [sflag:$0x1] =	stream.indirect.gather [hbm4b:s10+s17], $0x1, s0, s17, $0xb8;
	[tilespmem:$0xC600] =	vst v63  }
0x82: {  	s30 =	sadd.s32 $0x5900, s30  }
0x83: {  	[tilespmem:s30], [sflag:$0x1] =	stream.indirect.gather [hbm4b:s11+s17], $0x1, s0, s17, $0xb8;
	[tilespmem:$0xC600] =	vst v63  }
0x84: {  	_ =	swait.ge [sflag:s23], $0x80  }
0x85: {  	[sflag:s23] =	ssyncset.done $0x0  }
0x86: {  	[sflag:s23] =	ssyncadd.s32 $0xFFFFFF80  }
0x87: {  	_ =	swait.ge [sflag:s24], $0x80  }
0x88: {  	[sflag:s24] =	ssyncset.done $0x0  }
0x89: {  	[sflag:s24] =	ssyncadd.s32 $0xFFFFFF80  }
0x8a: {  	_ =	swait.ge [sflag:s24], $0x80  }
0x8b: {  	[sflag:s24] =	ssyncset.done $0x0  }
0x8c: {  	[sflag:s24] =	ssyncadd.s32 $0xFFFFFF80  }
0x8d: {  	_ =	swait.ge [sflag:s24], $0x80  }
0x8e: {  	[sflag:s24] =	ssyncset.done $0x0  }
0x8f: {  	[sflag:s24] =	ssyncadd.s32 $0xFFFFFF80  }
0x90: {  	_ =	swait.ge [sflag:s24], $0x80  }
0x91: {  	[sflag:s24] =	ssyncset.done $0x0  }
0x92: {  	[sflag:s24] =	ssyncadd.s32 $0xFFFFFF80  }
0x93: {  	_ =	swait.ge [sflag:s24], $0x80  }
0x94: {  	[sflag:s24] =	ssyncset.done $0x0  }
0x95: {  	[sflag:s24] =	ssyncadd.s32 $0xFFFFFF80  }
0x96: {  	_ =	swait.ge [sflag:s24], $0x80  }
0x97: {  	[sflag:s24] =	ssyncset.done $0x0  }
0x98: {  	[sflag:s24] =	ssyncadd.s32 $0xFFFFFF80  }
.Ltmp0:
0x99: {  	_ =	swait.ge [sflag:s24], $0x80;
	(pc) =	sbr.rel @p0 .LBB2_2-.Ltmp0, $4  }
0x9a: {  	[sflag:s24] =	ssyncset.done $0x0  }
0x9b: {  	[sflag:s24] =	ssyncadd.s32 $0xFFFFFF80  }
0x9c: {  	_ =	swait.ge [sflag:s24], $0x80  }
0x9d: {  	s30 =	sshra.s32 s29, $0x2;
	[sflag:s24] =	ssyncset.done $0x0  }
0x9e: {  	s0 =	sadd.s32 $0xBC00, s30;
	s28 =	sadd.s32 $0x100, s30;
	[sflag:s24] =	ssyncadd.s32 $0xFFFFFF80  }
0x9f: {  	[tilespmem:s0], [sflag:$0x2] =	stream.indirect.gather [hbm4b:s1+s17], $0x1, s28, s17, $0xb8;
	[tilespmem:$0xC600] =	vst v63  }
0xa0: {  	s29 =	sadd.s32 $0xC00, s30  }
0xa1: {  	[tilespmem:s29], [sflag:$0x1] =	stream.indirect.gather [hbm4b:s4+s17], $0x1, s28, s17, $0xb8;
	[tilespmem:$0xC600] =	vst v63  }
0xa2: {  	s31 =	sadd.s32 $0x1700, s30  }
0xa3: {  	[tilespmem:s31], [sflag:$0x1] =	stream.indirect.gather [hbm4b:s5+s17], $0x1, s28, s17, $0xb8;
	[tilespmem:$0xC600] =	vst v63  }
0xa4: {  	s29 =	sadd.s32 $0x2200, s30  }
0xa5: {  	[tilespmem:s29], [sflag:$0x1] =	stream.indirect.gather [hbm4b:s6+s17], $0x1, s28, s17, $0xb8;
	[tilespmem:$0xC600] =	vst v63  }
0xa6: {  	s31 =	sadd.s32 $0x2D00, s30  }
0xa7: {  	[tilespmem:s31], [sflag:$0x1] =	stream.indirect.gather [hbm4b:s7+s17], $0x1, s28, s17, $0xb8;
	[tilespmem:$0xC600] =	vst v63  }
0xa8: {  	s29 =	sadd.s32 $0x3800, s30  }
0xa9: {  	[tilespmem:s29], [sflag:$0x1] =	stream.indirect.gather [hbm4b:s8+s17], $0x1, s28, s17, $0xb8;
	[tilespmem:$0xC600] =	vst v63  }
0xaa: {  	s31 =	sadd.s32 $0x4300, s30  }
0xab: {  	[tilespmem:s31], [sflag:$0x1] =	stream.indirect.gather [hbm4b:s9+s17], $0x1, s28, s17, $0xb8;
	[tilespmem:$0xC600] =	vst v63  }
0xac: {  	s29 =	sadd.s32 $0x4E00, s30  }
0xad: {  	[tilespmem:s29], [sflag:$0x1] =	stream.indirect.gather [hbm4b:s10+s17], $0x1, s28, s17, $0xb8;
	[tilespmem:$0xC600] =	vst v63  }
0xae: {  	s31 =	sadd.s32 $0x5900, s30  }
0xaf: {  	[tilespmem:s31], [sflag:$0x1] =	stream.indirect.gather [hbm4b:s11+s17], $0x1, s28, s17, $0xb8;
	[tilespmem:$0xC600] =	vst v63  }
0xb0: {  	_ =	swait.ge [sflag:s23], $0x80  }
0xb1: {  	[sflag:s23] =	ssyncset.done $0x0  }
0xb2: {  	[sflag:s23] =	ssyncadd.s32 $0xFFFFFF80  }
0xb3: {  	_ =	swait.ge [sflag:s24], $0x80  }
0xb4: {  	[sflag:s24] =	ssyncset.done $0x0  }
0xb5: {  	[sflag:s24] =	ssyncadd.s32 $0xFFFFFF80  }
0xb6: {  	_ =	swait.ge [sflag:s24], $0x80  }
0xb7: {  	[sflag:s24] =	ssyncset.done $0x0  }
0xb8: {  	[sflag:s24] =	ssyncadd.s32 $0xFFFFFF80  }
0xb9: {  	_ =	swait.ge [sflag:s24], $0x80  }
0xba: {  	[sflag:s24] =	ssyncset.done $0x0  }
0xbb: {  	[sflag:s24] =	ssyncadd.s32 $0xFFFFFF80  }
0xbc: {  	_ =	swait.ge [sflag:s24], $0x80  }
0xbd: {  	[sflag:s24] =	ssyncset.done $0x0  }
0xbe: {  	[sflag:s24] =	ssyncadd.s32 $0xFFFFFF80  }
0xbf: {  	_ =	swait.ge [sflag:s24], $0x80  }
0xc0: {  	[sflag:s24] =	ssyncset.done $0x0  }
0xc1: {  	[sflag:s24] =	ssyncadd.s32 $0xFFFFFF80  }
0xc2: {  	_ =	swait.ge [sflag:s24], $0x80  }
0xc3: {  	[sflag:s24] =	ssyncset.done $0x0  }
0xc4: {  	[sflag:s24] =	ssyncadd.s32 $0xFFFFFF80  }
0xc5: {  	_ =	swait.ge [sflag:s24], $0x80  }
0xc6: {  	[sflag:s24] =	ssyncset.done $0x0  }
0xc7: {  	[sflag:s24] =	ssyncadd.s32 $0xFFFFFF80  }
0xc8: {  	_ =	swait.ge [sflag:s24], $0x80  }
0xc9: {  	[sflag:s24] =	ssyncset.done $0x0  }
0xca: {  	[sflag:s24] =	ssyncadd.s32 $0xFFFFFF80  }
0xcb: {  	_ =	swait.ge [sflag:s23], $0x80  }
0xcc: {  	[sflag:s23] =	ssyncset.done $0x0  }
0xcd: {  	[sflag:s23] =	ssyncadd.s32 $0xFFFFFF80  }
0xce: {  	_ =	swait.ge [sflag:s24], $0x80  }
0xcf: {  	[sflag:s24] =	ssyncset.done $0x0  }
0xd0: {  	[sflag:s24] =	ssyncadd.s32 $0xFFFFFF80  }
0xd1: {  	_ =	swait.ge [sflag:s24], $0x80  }
0xd2: {  	[sflag:s24] =	ssyncset.done $0x0  }
0xd3: {  	[sflag:s24] =	ssyncadd.s32 $0xFFFFFF80  }
0xd4: {  	_ =	swait.ge [sflag:s24], $0x80  }
0xd5: {  	[sflag:s24] =	ssyncset.done $0x0  }
0xd6: {  	[sflag:s24] =	ssyncadd.s32 $0xFFFFFF80  }
0xd7: {  	_ =	swait.ge [sflag:s24], $0x80  }
0xd8: {  	[sflag:s24] =	ssyncset.done $0x0  }
0xd9: {  	[sflag:s24] =	ssyncadd.s32 $0xFFFFFF80  }
0xda: {  	_ =	swait.ge [sflag:s24], $0x80  }
0xdb: {  	[sflag:s24] =	ssyncset.done $0x0  }
0xdc: {  	[sflag:s24] =	ssyncadd.s32 $0xFFFFFF80  }
0xdd: {  	_ =	swait.ge [sflag:s24], $0x80  }
0xde: {  	[sflag:s24] =	ssyncset.done $0x0  }
0xdf: {  	[sflag:s24] =	ssyncadd.s32 $0xFFFFFF80  }
0xe0: {  	_ =	swait.ge [sflag:s24], $0x80  }
0xe1: {  	[sflag:s24] =	ssyncset.done $0x0  }
0xe2: {  	[sflag:s24] =	ssyncadd.s32 $0xFFFFFF80  }
0xe3: {  	_ =	swait.ge [sflag:s24], $0x80  }
0xe4: {  	[sflag:s24] =	ssyncset.done $0x0  }
0xe5: {  	[sflag:s24] =	ssyncadd.s32 $0xFFFFFF80  }
0xe6: {  	_ =	swait.ge [sflag:s23], $0x80  }
0xe7: {  	[sflag:s23] =	ssyncset.done $0x0  }
0xe8: {  	[sflag:s23] =	ssyncadd.s32 $0xFFFFFF80  }
0xe9: {  	_ =	swait.ge [sflag:s24], $0x80  }
0xea: {  	[sflag:s24] =	ssyncset.done $0x0  }
0xeb: {  	[sflag:s24] =	ssyncadd.s32 $0xFFFFFF80  }
0xec: {  	_ =	swait.ge [sflag:s24], $0x80  }
0xed: {  	[sflag:s24] =	ssyncset.done $0x0  }
0xee: {  	[sflag:s24] =	ssyncadd.s32 $0xFFFFFF80  }
0xef: {  	_ =	swait.ge [sflag:s24], $0x80  }
0xf0: {  	[sflag:s24] =	ssyncset.done $0x0  }
0xf1: {  	[sflag:s24] =	ssyncadd.s32 $0xFFFFFF80  }
0xf2: {  	_ =	swait.ge [sflag:s24], $0x80  }
0xf3: {  	[sflag:s24] =	ssyncset.done $0x0  }
0xf4: {  	[sflag:s24] =	ssyncadd.s32 $0xFFFFFF80  }
0xf5: {  	_ =	swait.ge [sflag:s24], $0x80  }
0xf6: {  	[sflag:s24] =	ssyncset.done $0x0  }
0xf7: {  	[sflag:s24] =	ssyncadd.s32 $0xFFFFFF80  }
0xf8: {  	_ =	swait.ge [sflag:s24], $0x80  }
0xf9: {  	[sflag:s24] =	ssyncset.done $0x0  }
0xfa: {  	[sflag:s24] =	ssyncadd.s32 $0xFFFFFF80  }
0xfb: {  	v9 =	vimm.s32 $0x0;
	_ =	swait.ge [sflag:s24], $0x80  }
0xfc: {  	v10 =	vadd.s32 v1, v9;
	[sflag:s24] =	ssyncset.done $0x0  }
0xfd: {  	[sflag:s24] =	ssyncadd.s32 $0xFFFFFF80  }
0xfe: {  	_ =	swait.ge [sflag:s24], $0x80  }
0xff: {  	v11 =	vshll.u32 v9, $0x3;
	[sflag:s24] =	ssyncset.done $0x0  }
0x100: {  	v12 =	vor.u32 v0, v11;
	[sflag:s24] =	ssyncadd.s32 $0xFFFFFF80  }
0x101: {  	v12 =	vor.u32 v5, v12;
	v10 =	vld.idx.msk [tilespmem:v10+s19+$0x0], $0xffff  }
0x102: {  	v13 =	vadd.s32 v6, v9;
	_ =	sdelay $0x3  }
0x103: {  	[tilespmem:v12+s25+$0x0] =	vst.idx.msk $0xffff, v10;
	v10 =	vor.u32 v4, v11  }
0x104: {  	v12 =	vld.idx.msk [tilespmem:v13+s19+$0x0], $0xffff;
	v10 =	vor.u32 v5, v10  }
0x105: {  	v62 =	vadd.s32 v7, v9;
	_ =	sdelay $0x3  }
0x106: {  	[tilespmem:v10+s25+$0x0] =	vst.idx.msk $0xffff, v12;
	v10 =	vor.u32 v3, v11  }
0x107: {  	v12 =	vld.idx.msk [tilespmem:v62+s19+$0x0], $0xffff;
	v10 =	vor.u32 v5, v10  }
0x108: {  	v63 =	vadd.s32 v8, v9;
	_ =	sdelay $0x3  }
0x109: {  	v11 =	vor.u32 v2, v11;
	[tilespmem:v10+s25+$0x0] =	vst.idx.msk $0xffff, v12  }
0x10a: {  	v9 =	vadd.s32 $0x8, v9;
	s28 =	simm.s32 $0x0;
	v11 =	vor.u32 v5, v11;
	v10 =	vld.idx.msk [tilespmem:v63+s19+$0x0], $0xffff  }
.LBB2_4:
0x10b: {  	v12 =	vadd.s32 v1, v9;
	s28 =	sadd.s32 $0x4, s28  }
0x10c: {  	p0 =	slt.u32 s28, $0x57C;
	_ =	sdelay $0x2  }
0x10d: {  	v13 =	vshll.u32 v9, $0x3;
	[tilespmem:v11+s25+$0x0] =	vst.idx.msk $0xffff, v10  }
0x10e: {  	v11 =	vor.u32 v0, v13;
	v10 =	vld.idx.msk [tilespmem:v12+s19+$0x0], $0xffff  }
0x10f: {  	v11 =	vor.u32 v5, v11  }
0x110: {  	v12 =	vadd.s32 v6, v9;
	_ =	sdelay $0x3  }
0x111: {  	[tilespmem:v11+s25+$0x0] =	vst.idx.msk $0xffff, v10  }
0x112: {  	v11 =	vor.u32 v4, v13;
	v10 =	vld.idx.msk [tilespmem:v12+s19+$0x0], $0xffff  }
0x113: {  	v11 =	vor.u32 v5, v11  }
0x114: {  	v12 =	vadd.s32 v7, v9;
	_ =	sdelay $0x3  }
0x115: {  	[tilespmem:v11+s25+$0x0] =	vst.idx.msk $0xffff, v10  }
0x116: {  	v11 =	vor.u32 v3, v13;
	v10 =	vld.idx.msk [tilespmem:v12+s19+$0x0], $0xffff  }
0x117: {  	v11 =	vor.u32 v5, v11  }
0x118: {  	v12 =	vadd.s32 v8, v9;
	_ =	sdelay $0x1  }
.Ltmp1:
0x119: {  	(pc) =	sbr.rel @p0 .LBB2_4-.Ltmp1, $4  }
0x11a: {  	_ = 	snop  }
0x11b: {  	[tilespmem:v11+s25+$0x0] =	vst.idx.msk $0xffff, v10  }
0x11c: {  	v11 =	vor.u32 v2, v13;
	v10 =	vld.idx.msk [tilespmem:v12+s19+$0x0], $0xffff  }
0x11d: {  	v9 =	vadd.s32 $0x8, v9;
	v11 =	vor.u32 v5, v11  }
0x11e: {  	_ =	sdelay $0x3  }
0x11f: {  	[tilespmem:v11+s25+$0x0] =	vst.idx.msk $0xffff, v10  }
0x120: {  	[hbm4b:s13+s2] =	stream.linear.scatter [tilespmem:s25], [sflag:$0x3], $0x5800, $0x38;
	[tilespmem:$0xC600] =	vst v63  }
0x121: {  	s26 =	sadd.s32 $0x1, s26;
	_ =	swait.ge [sflag:s16], $0x5800  }
0x122: {  	p0 =	sne.s32 s26, s15;
	[sflag:s16] =	ssyncset.done $0x0  }
.Ltmp2:
0x123: {  	[sflag:s16] =	ssyncadd.s32 $0xFFFFA800;
	(pc) =	sbr.rel @p0 .LBB2_1-.Ltmp2, $4  }
0x124: {  	[hbm4b:s14+s2] =	stream.linear.scatter [tilespmem:s18], [sflag:$0x3], $0xB00, $0x38;
	[tilespmem:$0xC600] =	vst v63  }
0x125: {  	_ =	swait.ge [sflag:s16], $0xB00  }
0x126: {  	[sflag:s16] =	ssyncset.done $0x0  }
0x127: {  	[sflag:s16] =	ssyncadd.s32 $0xFFFFF500  }
0x128: {  	_ =	sfence.sel $0x180000  }
0x129: {  	[bflag:$0x0] =	sbarrier.arrive $0xFFFF  }
0x12a: {  	_ =	strace $0x90000047  }
0x12b: {  	s0 =	stileid.u32;
	[bflag:$0x2] =	sbarrier.arrive $0xFFFF  }
0x12c: {  	p0 =	sne.s32 s0, $0x0;
	s0 =	rddreg [dreg:$0x2]  }
0x12d: {  	s0 =	sadd.s32 @!p0 $0x100000, s0  }
0x12e: {  	[sflag:s0] =	ssyncadd.tile.s32 @!p0 $0x1;
	_ =	shalt  }
.Lfunc_end2:
_tile_overlayer_lowered:
.L_overlay_start_2:
0x12f: {  	(tag) =	ssettag $0x2  }
0x130: {  	s0 =	rddreg [dreg:$0x0];
	s2 =	stileid.u32  }
0x131: {  	s1 =	rddreg [dreg:$0x1];
	p0 =	sne.s32 s2, $0x0  }
0x132: {  	s3 =	rddreg [dreg:$0x2];
	[bflag:$0x3] =	sbarrier.arrive $0xFFFF;
	s2 =	simm.s32 @!p0 $0x1C03  }
0x133: {  	[timem:s3], [sflag:s2] =	dma.local @!p0 [hbm:s0], s1  }
0x134: {  	s0 =	simm.s32 @!p0 $0x3  }
0x135: {  	_ =	swait.ge @!p0 [sflag:s0], s1  }
0x136: {  	s1 =	ssub.s32 @!p0 $0x0, s1;
	[sflag:s0] =	ssyncset.done @!p0 $0x0  }
0x137: {  	[sflag:s0] =	ssyncadd.s32 @!p0 s1  }
0x138: {  	[bflag:$0x3] =	sbarrier.arrive $0xFFFF  }
0x139: {  	_ =	shalt  }

</sc_bundles>
